<compile_context>
chip_gen: v7x
topology: tpu7x:2x2x1
jax: 0.10.2.dev20260603
libtpu: 0.0.44.dev20260713+nightly
codegen_flags: <defaults>
</compile_context>

<pallas_src>
import functools
import jax
import jax.numpy as jnp
from jax import lax
from jax.experimental import pallas as pl
from jax.experimental.pallas import tpu as pltpu
from jax.experimental.pallas import tpu_sc as plsc

D = 64
NC = 2
NS = 16
NW = NC * NS
B = 4096 * 50
B_PER_W = B // NW
CH = 800
N_CH = B_PER_W // CH
SCALE = 8.0

_mesh = plsc.VectorSubcoreMesh(core_axis_name="c", subcore_axis_name="s")


@functools.partial(
    pl.kernel,
    out_type=jax.ShapeDtypeStruct((B, D), jnp.float32),
    mesh=_mesh,
    scratch_types=[
        pltpu.VMEM((CH,), jnp.int32),
        pltpu.VMEM((CH,), jnp.int32),
        pltpu.VMEM((CH, D), jnp.float32),
        pltpu.VMEM((CH, D), jnp.float32),
        pltpu.SemaphoreType.DMA,
        pltpu.SemaphoreType.DMA,
        pltpu.SemaphoreType.DMA,
    ],
    compiler_params=pltpu.CompilerParams(use_tc_tiling_on_sc=False),
)
def _emb_lookup(x_hbm, table_hbm, out_hbm, idx_a, idx_b, rows_a, rows_b,
                gsem_a, gsem_b, wsem):
    wid = lax.axis_index("s") * NC + lax.axis_index("c")
    base = wid * B_PER_W

    def prep(ci, idx_v, rows_v, gsem):
        pltpu.sync_copy(x_hbm.at[pl.ds(base + ci * CH, CH)], idx_v)
        return pltpu.async_copy(table_hbm.at[idx_v], rows_v, gsem)

    def finish(ci, rows_v, gdesc, first):
        gdesc.wait()
        if not first:
            pltpu.make_async_copy(
                rows_v, out_hbm.at[pl.ds(base, CH)], wsem).wait()

        def scale_body(r, c):
            for k in range(D // 16):
                rows_v[r, pl.ds(k * 16, 16)] = rows_v[r, pl.ds(k * 16, 16)] * SCALE
            return c

        lax.fori_loop(0, CH, scale_body, 0)
        pltpu.async_copy(rows_v, out_hbm.at[pl.ds(base + ci * CH, CH)], wsem)

    g = prep(0, idx_a, rows_a, gsem_a)
    for ci in range(N_CH):
        nxt = None
        if ci + 1 < N_CH:
            if ci % 2 == 0:
                nxt = prep(ci + 1, idx_b, rows_b, gsem_b)
            else:
                nxt = prep(ci + 1, idx_a, rows_a, gsem_a)
        rows_c = rows_a if ci % 2 == 0 else rows_b
        finish(ci, rows_c, g, first=ci < 2)
        g = nxt
    pltpu.make_async_copy(rows_a, out_hbm.at[pl.ds(base, CH)], wsem).wait()
    pltpu.make_async_copy(rows_b, out_hbm.at[pl.ds(base, CH)], wsem).wait()


def kernel(x, embedding_weight):
    xf = x.astype(jnp.int32).T.reshape(-1)
    out = _emb_lookup(xf, embedding_weight)
    return out.reshape(x.shape[1], x.shape[0], D).transpose(1, 0, 2)

# --- scband reference (transcript-rebuilt; emitter-appended) ---
"""Pipeline reference for scband-input-embedding-23502061043956 (READ-ONLY COPY).

The authoritative reference and input builder live on the scoring server;
editing this copy changes nothing except your own understanding.
"""

import math
import jax, jax.numpy as jnp
import numpy as np

VOCAB_SIZE = 1000000
D_MODEL = 64
BATCH = 4096
SEQ = 50

def setup_inputs(seed: int = 0) -> dict:
    key = jax.random.key(seed)
    k_idx, k_emb = jax.random.split(key)
    x = jax.random.randint(k_idx, (BATCH, SEQ), 0, VOCAB_SIZE, dtype=jnp.int64 if jax.config.jax_enable_x64 else jnp.int32)
    embedding_weight = jax.random.normal(k_emb, (VOCAB_SIZE, D_MODEL), dtype=jnp.float32)
    return {"x": x, "embedding_weight": embedding_weight}

def reference(x, embedding_weight):
    # nn.Embedding lookup followed by scaling by sqrt(d_model)
    # (original code has a typo math.srt; faithful intent is math.sqrt)
    emb = jnp.take(embedding_weight, x, axis=0)
    return emb * math.sqrt(D_MODEL)

if __name__ == "__main__":
    import jax
    _d = setup_inputs()
    print(jax.jit(kernel)(*tuple(_d.values())))

</pallas_src>

<mosaic_0001>
#map = affine_map<(d0, d1) -> (0)>
#map1 = affine_map<(d0, d1) -> (0, 0)>
module attributes {stable_mosaic.version = 14 : i64} {
  func.func @_emb_lookup(%arg0: i32, %arg1: i32, %arg2: memref<204800xi32, #tpu.memory_space<hbm>>, %arg3: memref<1000000x64xf32, #tpu.memory_space<hbm>>, %arg4: memref<204800x64xf32, #tpu.memory_space<hbm>>, %arg5: memref<800xi32, #tpu.memory_space<vmem>>, %arg6: memref<800xi32, #tpu.memory_space<vmem>>, %arg7: memref<800x64xf32, #tpu.memory_space<vmem>>, %arg8: memref<800x64xf32, #tpu.memory_space<vmem>>, %arg9: memref<!tpu.dma_semaphore, #tpu.memory_space<semaphore_mem>>, %arg10: memref<!tpu.dma_semaphore, #tpu.memory_space<semaphore_mem>>, %arg11: memref<!tpu.dma_semaphore, #tpu.memory_space<semaphore_mem>>) attributes {dimension_semantics = [#tpu.dimension_semantics<core_parallel>, #tpu.dimension_semantics<subcore_parallel>], iteration_bounds = array<i64: 2, 16>, scalar_prefetch = 0 : i64, scratch_operands = 7 : i64, tpu.core_type = #tpu.core_type<sc_vector_subcore>, window_params = [{transform_indices = #map}, {transform_indices = #map1}, {transform_indices = #map1}]} {
    %mul3A = arith.constant 2 : i32
    %mul3A_0 = arith.muli %arg1, %mul3A : i32
    %add3A = arith.addi %mul3A_0, %arg0 : i32
    %mul3A_1 = arith.constant 6400 : i32
    %mul3A_2 = arith.muli %add3A, %mul3A_1 : i32
    %add3A_3 = arith.constant 0 : i32
    %add3A_4 = arith.addi %mul3A_2, %add3A_3 : i32
    "tpu.region"() ({
      %run_scoped3A = tpu.sem_alloc : memref<!tpu.dma_semaphore, #tpu.memory_space<semaphore_mem>>
      %dma_start3A_192 = tpu.memref_slice %arg2[%add3A_4] : memref<204800xi32, #tpu.memory_space<hbm>> -> memref<800xi32, #tpu.memory_space<hbm>>
      %dma_start3A_193 = tpu.memref_slice %arg2[%add3A_4] : memref<204800xi32, #tpu.memory_space<hbm>> -> memref<800xi32, #tpu.memory_space<hbm>>
      tpu.enqueue_dma source(%dma_start3A_193 : memref<800xi32, #tpu.memory_space<hbm>>) target(%arg5 : memref<800xi32, #tpu.memory_space<vmem>>) target_semaphore(%run_scoped3A : memref<!tpu.dma_semaphore, #tpu.memory_space<semaphore_mem>>)
      %dma_wait3A_194 = tpu.memref_slice %arg2[%add3A_4] : memref<204800xi32, #tpu.memory_space<hbm>> -> memref<800xi32, #tpu.memory_space<hbm>>
      %dma_wait3A_195 = tpu.memref_slice %arg2[%add3A_4] : memref<204800xi32, #tpu.memory_space<hbm>> -> memref<800xi32, #tpu.memory_space<hbm>>
      tpu.wait_dma2 semaphore(%run_scoped3A : memref<!tpu.dma_semaphore, #tpu.memory_space<semaphore_mem>>) src(%dma_wait3A_195 : memref<800xi32, #tpu.memory_space<hbm>>) dst(%arg5 : memref<800xi32, #tpu.memory_space<vmem>>)
      tpu.yield
    }) : () -> ()
    %dma_start3A = arith.constant 0 : i32
    %dma_start3A_5 = arith.constant 0 : i32
    %dma_start3A_6 = tpu.memref_slice %arg3[%dma_start3A, %dma_start3A_5] : memref<1000000x64xf32, #tpu.memory_space<hbm>> -> memref<1000000x64xf32, #tpu.memory_space<hbm>>
    tpu.enqueue_indirect_dma source(%dma_start3A_6 : memref<1000000x64xf32, #tpu.memory_space<hbm>>) target(%arg7 : memref<800x64xf32, #tpu.memory_space<vmem>>) offsets(%arg5 : memref<800xi32, #tpu.memory_space<vmem>>) semaphore(%arg9 : memref<!tpu.dma_semaphore, #tpu.memory_space<semaphore_mem>>)
    %add3A_7 = arith.constant 800 : i32
    %add3A_8 = arith.addi %mul3A_2, %add3A_7 : i32
    "tpu.region"() ({
      %run_scoped3A = tpu.sem_alloc : memref<!tpu.dma_semaphore, #tpu.memory_space<semaphore_mem>>
      %dma_start3A_192 = tpu.memref_slice %arg2[%add3A_8] : memref<204800xi32, #tpu.memory_space<hbm>> -> memref<800xi32, #tpu.memory_space<hbm>>
      %dma_start3A_193 = tpu.memref_slice %arg2[%add3A_8] : memref<204800xi32, #tpu.memory_space<hbm>> -> memref<800xi32, #tpu.memory_space<hbm>>
      tpu.enqueue_dma source(%dma_start3A_193 : memref<800xi32, #tpu.memory_space<hbm>>) target(%arg6 : memref<800xi32, #tpu.memory_space<vmem>>) target_semaphore(%run_scoped3A : memref<!tpu.dma_semaphore, #tpu.memory_space<semaphore_mem>>)
      %dma_wait3A_194 = tpu.memref_slice %arg2[%add3A_8] : memref<204800xi32, #tpu.memory_space<hbm>> -> memref<800xi32, #tpu.memory_space<hbm>>
      %dma_wait3A_195 = tpu.memref_slice %arg2[%add3A_8] : memref<204800xi32, #tpu.memory_space<hbm>> -> memref<800xi32, #tpu.memory_space<hbm>>
      tpu.wait_dma2 semaphore(%run_scoped3A : memref<!tpu.dma_semaphore, #tpu.memory_space<semaphore_mem>>) src(%dma_wait3A_195 : memref<800xi32, #tpu.memory_space<hbm>>) dst(%arg6 : memref<800xi32, #tpu.memory_space<vmem>>)
      tpu.yield
    }) : () -> ()
    %dma_start3A_9 = arith.constant 0 : i32
    %dma_start3A_10 = arith.constant 0 : i32
    %dma_start3A_11 = tpu.memref_slice %arg3[%dma_start3A_9, %dma_start3A_10] : memref<1000000x64xf32, #tpu.memory_space<hbm>> -> memref<1000000x64xf32, #tpu.memory_space<hbm>>
    tpu.enqueue_indirect_dma source(%dma_start3A_11 : memref<1000000x64xf32, #tpu.memory_space<hbm>>) target(%arg8 : memref<800x64xf32, #tpu.memory_space<vmem>>) offsets(%arg6 : memref<800xi32, #tpu.memory_space<vmem>>) semaphore(%arg10 : memref<!tpu.dma_semaphore, #tpu.memory_space<semaphore_mem>>)
    %dma_wait3A = arith.constant 0 : i32
    %dma_wait3A_12 = arith.constant 0 : i32
    %dma_wait3A_13 = tpu.memref_slice %arg3[%dma_wait3A, %dma_wait3A_12] : memref<1000000x64xf32, #tpu.memory_space<hbm>> -> memref<1000000x64xf32, #tpu.memory_space<hbm>>
    tpu.wait_indirect_dma semaphore(%arg9 : memref<!tpu.dma_semaphore, #tpu.memory_space<semaphore_mem>>) src(%dma_wait3A_13 : memref<1000000x64xf32, #tpu.memory_space<hbm>>) dst(%arg7 : memref<800x64xf32, #tpu.memory_space<vmem>>)
    %scan3A = arith.constant 0 : i32
    %scan3A_14 = arith.constant 0 : i32
    %scan3A_15 = arith.constant 800 : i32
    %scan3A_16 = arith.addi %scan3A_14, %scan3A_15 : i32
    %scan3A_17 = arith.constant 1 : i32
    scf.for %scan3A_192 = %scan3A_14 to %scan3A_16 step %scan3A_17  : i32 {
      %get3A = arith.index_cast %scan3A_192 : i32 to index
      %get3A_193 = arith.constant 0 : index
      %get3A_194 = tpu.vector_load %arg7[%get3A, %get3A_193] {strides = array<i32>} : memref<800x64xf32, #tpu.memory_space<vmem>>, vector<1x16xf32>,
      %get3A_195 = vector.shape_cast %get3A_194 : vector<1x16xf32> to vector<16xf32>
      %mul3A_196 = arith.constant 8.000000e+00 : f32
      %mul3A_197 = vector.broadcast %mul3A_196 : f32 to vector<16xf32>
      %mul3A_198 = arith.mulf %get3A_195, %mul3A_197 : vector<16xf32>
      %swap3A = arith.index_cast %scan3A_192 : i32 to index
      %swap3A_199 = arith.constant 0 : index
      %swap3A_200 = tpu.vector_load %arg7[%swap3A, %swap3A_199] {strides = array<i32>} : memref<800x64xf32, #tpu.memory_space<vmem>>, vector<1x16xf32>,
      %swap3A_201 = vector.shape_cast %swap3A_200 : vector<1x16xf32> to vector<16xf32>
      %swap3A_202 = vector.shape_cast %mul3A_198 : vector<16xf32> to vector<1x16xf32>
      tpu.vector_store %arg7[%swap3A, %swap3A_199], %swap3A_202 {strides = array<i32>} : memref<800x64xf32, #tpu.memory_space<vmem>>, vector<1x16xf32>,
      %get3A_203 = arith.index_cast %scan3A_192 : i32 to index
      %get3A_204 = arith.constant 16 : index
      %get3A_205 = tpu.vector_load %arg7[%get3A_203, %get3A_204] {strides = array<i32>} : memref<800x64xf32, #tpu.memory_space<vmem>>, vector<1x16xf32>,
      %get3A_206 = vector.shape_cast %get3A_205 : vector<1x16xf32> to vector<16xf32>
      %mul3A_207 = arith.constant 8.000000e+00 : f32
      %mul3A_208 = vector.broadcast %mul3A_207 : f32 to vector<16xf32>
      %mul3A_209 = arith.mulf %get3A_206, %mul3A_208 : vector<16xf32>
      %swap3A_210 = arith.index_cast %scan3A_192 : i32 to index
      %swap3A_211 = arith.constant 16 : index
      %swap3A_212 = tpu.vector_load %arg7[%swap3A_210, %swap3A_211] {strides = array<i32>} : memref<800x64xf32, #tpu.memory_space<vmem>>, vector<1x16xf32>,
      %swap3A_213 = vector.shape_cast %swap3A_212 : vector<1x16xf32> to vector<16xf32>
      %swap3A_214 = vector.shape_cast %mul3A_209 : vector<16xf32> to vector<1x16xf32>
      tpu.vector_store %arg7[%swap3A_210, %swap3A_211], %swap3A_214 {strides = array<i32>} : memref<800x64xf32, #tpu.memory_space<vmem>>, vector<1x16xf32>,
      %get3A_215 = arith.index_cast %scan3A_192 : i32 to index
      %get3A_216 = arith.constant 32 : index
      %get3A_217 = tpu.vector_load %arg7[%get3A_215, %get3A_216] {strides = array<i32>} : memref<800x64xf32, #tpu.memory_space<vmem>>, vector<1x16xf32>,
      %get3A_218 = vector.shape_cast %get3A_217 : vector<1x16xf32> to vector<16xf32>
      %mul3A_219 = arith.constant 8.000000e+00 : f32
      %mul3A_220 = vector.broadcast %mul3A_219 : f32 to vector<16xf32>
      %mul3A_221 = arith.mulf %get3A_218, %mul3A_220 : vector<16xf32>
      %swap3A_222 = arith.index_cast %scan3A_192 : i32 to index
      %swap3A_223 = arith.constant 32 : index
      %swap3A_224 = tpu.vector_load %arg7[%swap3A_222, %swap3A_223] {strides = array<i32>} : memref<800x64xf32, #tpu.memory_space<vmem>>, vector<1x16xf32>,
      %swap3A_225 = vector.shape_cast %swap3A_224 : vector<1x16xf32> to vector<16xf32>
      %swap3A_226 = vector.shape_cast %mul3A_221 : vector<16xf32> to vector<1x16xf32>
      tpu.vector_store %arg7[%swap3A_222, %swap3A_223], %swap3A_226 {strides = array<i32>} : memref<800x64xf32, #tpu.memory_space<vmem>>, vector<1x16xf32>,
      %get3A_227 = arith.index_cast %scan3A_192 : i32 to index
      %get3A_228 = arith.constant 48 : index
      %get3A_229 = tpu.vector_load %arg7[%get3A_227, %get3A_228] {strides = array<i32>} : memref<800x64xf32, #tpu.memory_space<vmem>>, vector<1x16xf32>,
      %get3A_230 = vector.shape_cast %get3A_229 : vector<1x16xf32> to vector<16xf32>
      %mul3A_231 = arith.constant 8.000000e+00 : f32
      %mul3A_232 = vector.broadcast %mul3A_231 : f32 to vector<16xf32>
      %mul3A_233 = arith.mulf %get3A_230, %mul3A_232 : vector<16xf32>
      %swap3A_234 = arith.index_cast %scan3A_192 : i32 to index
      %swap3A_235 = arith.constant 48 : index
      %swap3A_236 = tpu.vector_load %arg7[%swap3A_234, %swap3A_235] {strides = array<i32>} : memref<800x64xf32, #tpu.memory_space<vmem>>, vector<1x16xf32>,
      %swap3A_237 = vector.shape_cast %swap3A_236 : vector<1x16xf32> to vector<16xf32>
      %swap3A_238 = vector.shape_cast %mul3A_233 : vector<16xf32> to vector<1x16xf32>
      tpu.vector_store %arg7[%swap3A_234, %swap3A_235], %swap3A_238 {strides = array<i32>} : memref<800x64xf32, #tpu.memory_space<vmem>>, vector<1x16xf32>,
    }
    %scan3A_18 = arith.constant 800 : i32
    %add3A_19 = arith.constant 0 : i32
    %add3A_20 = arith.addi %mul3A_2, %add3A_19 : i32
    %dma_start3A_21 = arith.constant 0 : i32
    %dma_start3A_22 = tpu.memref_slice %arg4[%add3A_20, %dma_start3A_21] : memref<204800x64xf32, #tpu.memory_space<hbm>> -> memref<800x64xf32, #tpu.memory_space<hbm>>
    %dma_start3A_23 = arith.constant 0 : i32
    %dma_start3A_24 = tpu.memref_slice %arg4[%add3A_20, %dma_start3A_23] : memref<204800x64xf32, #tpu.memory_space<hbm>> -> memref<800x64xf32, #tpu.memory_space<hbm>>
    tpu.enqueue_dma source(%arg7 : memref<800x64xf32, #tpu.memory_space<vmem>>) target(%dma_start3A_24 : memref<800x64xf32, #tpu.memory_space<hbm>>) target_semaphore(%arg11 : memref<!tpu.dma_semaphore, #tpu.memory_space<semaphore_mem>>)
    %add3A_25 = arith.constant 1600 : i32
    %add3A_26 = arith.addi %mul3A_2, %add3A_25 : i32
    "tpu.region"() ({
      %run_scoped3A = tpu.sem_alloc : memref<!tpu.dma_semaphore, #tpu.memory_space<semaphore_mem>>
      %dma_start3A_192 = tpu.memref_slice %arg2[%add3A_26] : memref<204800xi32, #tpu.memory_space<hbm>> -> memref<800xi32, #tpu.memory_space<hbm>>
      %dma_start3A_193 = tpu.memref_slice %arg2[%add3A_26] : memref<204800xi32, #tpu.memory_space<hbm>> -> memref<800xi32, #tpu.memory_space<hbm>>
      tpu.enqueue_dma source(%dma_start3A_193 : memref<800xi32, #tpu.memory_space<hbm>>) target(%arg5 : memref<800xi32, #tpu.memory_space<vmem>>) target_semaphore(%run_scoped3A : memref<!tpu.dma_semaphore, #tpu.memory_space<semaphore_mem>>)
      %dma_wait3A_194 = tpu.memref_slice %arg2[%add3A_26] : memref<204800xi32, #tpu.memory_space<hbm>> -> memref<800xi32, #tpu.memory_space<hbm>>
      %dma_wait3A_195 = tpu.memref_slice %arg2[%add3A_26] : memref<204800xi32, #tpu.memory_space<hbm>> -> memref<800xi32, #tpu.memory_space<hbm>>
      tpu.wait_dma2 semaphore(%run_scoped3A : memref<!tpu.dma_semaphore, #tpu.memory_space<semaphore_mem>>) src(%dma_wait3A_195 : memref<800xi32, #tpu.memory_space<hbm>>) dst(%arg5 : memref<800xi32, #tpu.memory_space<vmem>>)
      tpu.yield
    }) : () -> ()
    %dma_start3A_27 = arith.constant 0 : i32
    %dma_start3A_28 = arith.constant 0 : i32
    %dma_start3A_29 = tpu.memref_slice %arg3[%dma_start3A_27, %dma_start3A_28] : memref<1000000x64xf32, #tpu.memory_space<hbm>> -> memref<1000000x64xf32, #tpu.memory_space<hbm>>
    tpu.enqueue_indirect_dma source(%dma_start3A_29 : memref<1000000x64xf32, #tpu.memory_space<hbm>>) target(%arg7 : memref<800x64xf32, #tpu.memory_space<vmem>>) offsets(%arg5 : memref<800xi32, #tpu.memory_space<vmem>>) semaphore(%arg9 : memref<!tpu.dma_semaphore, #tpu.memory_space<semaphore_mem>>)
    %dma_wait3A_30 = arith.constant 0 : i32
    %dma_wait3A_31 = arith.constant 0 : i32
    %dma_wait3A_32 = tpu.memref_slice %arg3[%dma_wait3A_30, %dma_wait3A_31] : memref<1000000x64xf32, #tpu.memory_space<hbm>> -> memref<1000000x64xf32, #tpu.memory_space<hbm>>
    tpu.wait_indirect_dma semaphore(%arg10 : memref<!tpu.dma_semaphore, #tpu.memory_space<semaphore_mem>>) src(%dma_wait3A_32 : memref<1000000x64xf32, #tpu.memory_space<hbm>>) dst(%arg8 : memref<800x64xf32, #tpu.memory_space<vmem>>)
    %scan3A_33 = arith.constant 0 : i32
    %scan3A_34 = arith.constant 0 : i32
    %scan3A_35 = arith.constant 800 : i32
    %scan3A_36 = arith.addi %scan3A_34, %scan3A_35 : i32
    %scan3A_37 = arith.constant 1 : i32
    scf.for %scan3A_192 = %scan3A_34 to %scan3A_36 step %scan3A_37  : i32 {
      %get3A = arith.index_cast %scan3A_192 : i32 to index
      %get3A_193 = arith.constant 0 : index
      %get3A_194 = tpu.vector_load %arg8[%get3A, %get3A_193] {strides = array<i32>} : memref<800x64xf32, #tpu.memory_space<vmem>>, vector<1x16xf32>,
      %get3A_195 = vector.shape_cast %get3A_194 : vector<1x16xf32> to vector<16xf32>
      %mul3A_196 = arith.constant 8.000000e+00 : f32
      %mul3A_197 = vector.broadcast %mul3A_196 : f32 to vector<16xf32>
      %mul3A_198 = arith.mulf %get3A_195, %mul3A_197 : vector<16xf32>
      %swap3A = arith.index_cast %scan3A_192 : i32 to index
      %swap3A_199 = arith.constant 0 : index
      %swap3A_200 = tpu.vector_load %arg8[%swap3A, %swap3A_199] {strides = array<i32>} : memref<800x64xf32, #tpu.memory_space<vmem>>, vector<1x16xf32>,
      %swap3A_201 = vector.shape_cast %swap3A_200 : vector<1x16xf32> to vector<16xf32>
      %swap3A_202 = vector.shape_cast %mul3A_198 : vector<16xf32> to vector<1x16xf32>
      tpu.vector_store %arg8[%swap3A, %swap3A_199], %swap3A_202 {strides = array<i32>} : memref<800x64xf32, #tpu.memory_space<vmem>>, vector<1x16xf32>,
      %get3A_203 = arith.index_cast %scan3A_192 : i32 to index
      %get3A_204 = arith.constant 16 : index
      %get3A_205 = tpu.vector_load %arg8[%get3A_203, %get3A_204] {strides = array<i32>} : memref<800x64xf32, #tpu.memory_space<vmem>>, vector<1x16xf32>,
      %get3A_206 = vector.shape_cast %get3A_205 : vector<1x16xf32> to vector<16xf32>
      %mul3A_207 = arith.constant 8.000000e+00 : f32
      %mul3A_208 = vector.broadcast %mul3A_207 : f32 to vector<16xf32>
      %mul3A_209 = arith.mulf %get3A_206, %mul3A_208 : vector<16xf32>
      %swap3A_210 = arith.index_cast %scan3A_192 : i32 to index
      %swap3A_211 = arith.constant 16 : index
      %swap3A_212 = tpu.vector_load %arg8[%swap3A_210, %swap3A_211] {strides = array<i32>} : memref<800x64xf32, #tpu.memory_space<vmem>>, vector<1x16xf32>,
      %swap3A_213 = vector.shape_cast %swap3A_212 : vector<1x16xf32> to vector<16xf32>
      %swap3A_214 = vector.shape_cast %mul3A_209 : vector<16xf32> to vector<1x16xf32>
      tpu.vector_store %arg8[%swap3A_210, %swap3A_211], %swap3A_214 {strides = array<i32>} : memref<800x64xf32, #tpu.memory_space<vmem>>, vector<1x16xf32>,
      %get3A_215 = arith.index_cast %scan3A_192 : i32 to index
      %get3A_216 = arith.constant 32 : index
      %get3A_217 = tpu.vector_load %arg8[%get3A_215, %get3A_216] {strides = array<i32>} : memref<800x64xf32, #tpu.memory_space<vmem>>, vector<1x16xf32>,
      %get3A_218 = vector.shape_cast %get3A_217 : vector<1x16xf32> to vector<16xf32>
      %mul3A_219 = arith.constant 8.000000e+00 : f32
      %mul3A_220 = vector.broadcast %mul3A_219 : f32 to vector<16xf32>
      %mul3A_221 = arith.mulf %get3A_218, %mul3A_220 : vector<16xf32>
      %swap3A_222 = arith.index_cast %scan3A_192 : i32 to index
      %swap3A_223 = arith.constant 32 : index
      %swap3A_224 = tpu.vector_load %arg8[%swap3A_222, %swap3A_223] {strides = array<i32>} : memref<800x64xf32, #tpu.memory_space<vmem>>, vector<1x16xf32>,
      %swap3A_225 = vector.shape_cast %swap3A_224 : vector<1x16xf32> to vector<16xf32>
      %swap3A_226 = vector.shape_cast %mul3A_221 : vector<16xf32> to vector<1x16xf32>
      tpu.vector_store %arg8[%swap3A_222, %swap3A_223], %swap3A_226 {strides = array<i32>} : memref<800x64xf32, #tpu.memory_space<vmem>>, vector<1x16xf32>,
      %get3A_227 = arith.index_cast %scan3A_192 : i32 to index
      %get3A_228 = arith.constant 48 : index
      %get3A_229 = tpu.vector_load %arg8[%get3A_227, %get3A_228] {strides = array<i32>} : memref<800x64xf32, #tpu.memory_space<vmem>>, vector<1x16xf32>,
      %get3A_230 = vector.shape_cast %get3A_229 : vector<1x16xf32> to vector<16xf32>
      %mul3A_231 = arith.constant 8.000000e+00 : f32
      %mul3A_232 = vector.broadcast %mul3A_231 : f32 to vector<16xf32>
      %mul3A_233 = arith.mulf %get3A_230, %mul3A_232 : vector<16xf32>
      %swap3A_234 = arith.index_cast %scan3A_192 : i32 to index
      %swap3A_235 = arith.constant 48 : index
      %swap3A_236 = tpu.vector_load %arg8[%swap3A_234, %swap3A_235] {strides = array<i32>} : memref<800x64xf32, #tpu.memory_space<vmem>>, vector<1x16xf32>,
      %swap3A_237 = vector.shape_cast %swap3A_236 : vector<1x16xf32> to vector<16xf32>
      %swap3A_238 = vector.shape_cast %mul3A_233 : vector<16xf32> to vector<1x16xf32>
      tpu.vector_store %arg8[%swap3A_234, %swap3A_235], %swap3A_238 {strides = array<i32>} : memref<800x64xf32, #tpu.memory_space<vmem>>, vector<1x16xf32>,
    }
    %scan3A_38 = arith.constant 800 : i32
    %add3A_39 = arith.constant 800 : i32
    %add3A_40 = arith.addi %mul3A_2, %add3A_39 : i32
    %dma_start3A_41 = arith.constant 0 : i32
    %dma_start3A_42 = tpu.memref_slice %arg4[%add3A_40, %dma_start3A_41] : memref<204800x64xf32, #tpu.memory_space<hbm>> -> memref<800x64xf32, #tpu.memory_space<hbm>>
    %dma_start3A_43 = arith.constant 0 : i32
    %dma_start3A_44 = tpu.memref_slice %arg4[%add3A_40, %dma_start3A_43] : memref<204800x64xf32, #tpu.memory_space<hbm>> -> memref<800x64xf32, #tpu.memory_space<hbm>>
    tpu.enqueue_dma source(%arg8 : memref<800x64xf32, #tpu.memory_space<vmem>>) target(%dma_start3A_44 : memref<800x64xf32, #tpu.memory_space<hbm>>) target_semaphore(%arg11 : memref<!tpu.dma_semaphore, #tpu.memory_space<semaphore_mem>>)
    %add3A_45 = arith.constant 2400 : i32
    %add3A_46 = arith.addi %mul3A_2, %add3A_45 : i32
    "tpu.region"() ({
      %run_scoped3A = tpu.sem_alloc : memref<!tpu.dma_semaphore, #tpu.memory_space<semaphore_mem>>
      %dma_start3A_192 = tpu.memref_slice %arg2[%add3A_46] : memref<204800xi32, #tpu.memory_space<hbm>> -> memref<800xi32, #tpu.memory_space<hbm>>
      %dma_start3A_193 = tpu.memref_slice %arg2[%add3A_46] : memref<204800xi32, #tpu.memory_space<hbm>> -> memref<800xi32, #tpu.memory_space<hbm>>
      tpu.enqueue_dma source(%dma_start3A_193 : memref<800xi32, #tpu.memory_space<hbm>>) target(%arg6 : memref<800xi32, #tpu.memory_space<vmem>>) target_semaphore(%run_scoped3A : memref<!tpu.dma_semaphore, #tpu.memory_space<semaphore_mem>>)
      %dma_wait3A_194 = tpu.memref_slice %arg2[%add3A_46] : memref<204800xi32, #tpu.memory_space<hbm>> -> memref<800xi32, #tpu.memory_space<hbm>>
      %dma_wait3A_195 = tpu.memref_slice %arg2[%add3A_46] : memref<204800xi32, #tpu.memory_space<hbm>> -> memref<800xi32, #tpu.memory_space<hbm>>
      tpu.wait_dma2 semaphore(%run_scoped3A : memref<!tpu.dma_semaphore, #tpu.memory_space<semaphore_mem>>) src(%dma_wait3A_195 : memref<800xi32, #tpu.memory_space<hbm>>) dst(%arg6 : memref<800xi32, #tpu.memory_space<vmem>>)
      tpu.yield
    }) : () -> ()
    %dma_start3A_47 = arith.constant 0 : i32
    %dma_start3A_48 = arith.constant 0 : i32
    %dma_start3A_49 = tpu.memref_slice %arg3[%dma_start3A_47, %dma_start3A_48] : memref<1000000x64xf32, #tpu.memory_space<hbm>> -> memref<1000000x64xf32, #tpu.memory_space<hbm>>
    tpu.enqueue_indirect_dma source(%dma_start3A_49 : memref<1000000x64xf32, #tpu.memory_space<hbm>>) target(%arg8 : memref<800x64xf32, #tpu.memory_space<vmem>>) offsets(%arg6 : memref<800xi32, #tpu.memory_space<vmem>>) semaphore(%arg10 : memref<!tpu.dma_semaphore, #tpu.memory_space<semaphore_mem>>)
    %dma_wait3A_50 = arith.constant 0 : i32
    %dma_wait3A_51 = arith.constant 0 : i32
    %dma_wait3A_52 = tpu.memref_slice %arg3[%dma_wait3A_50, %dma_wait3A_51] : memref<1000000x64xf32, #tpu.memory_space<hbm>> -> memref<1000000x64xf32, #tpu.memory_space<hbm>>
    tpu.wait_indirect_dma semaphore(%arg9 : memref<!tpu.dma_semaphore, #tpu.memory_space<semaphore_mem>>) src(%dma_wait3A_52 : memref<1000000x64xf32, #tpu.memory_space<hbm>>) dst(%arg7 : memref<800x64xf32, #tpu.memory_space<vmem>>)
    %dma_wait3A_53 = arith.constant 0 : i32
    %dma_wait3A_54 = tpu.memref_slice %arg4[%mul3A_2, %dma_wait3A_53] : memref<204800x64xf32, #tpu.memory_space<hbm>> -> memref<800x64xf32, #tpu.memory_space<hbm>>
    %dma_wait3A_55 = arith.constant 0 : i32
    %dma_wait3A_56 = tpu.memref_slice %arg4[%mul3A_2, %dma_wait3A_55] : memref<204800x64xf32, #tpu.memory_space<hbm>> -> memref<800x64xf32, #tpu.memory_space<hbm>>
    tpu.wait_dma2 semaphore(%arg11 : memref<!tpu.dma_semaphore, #tpu.memory_space<semaphore_mem>>) src(%arg7 : memref<800x64xf32, #tpu.memory_space<vmem>>) dst(%dma_wait3A_56 : memref<800x64xf32, #tpu.memory_space<hbm>>)
    %scan3A_57 = arith.constant 0 : i32
    %scan3A_58 = arith.constant 0 : i32
    %scan3A_59 = arith.constant 800 : i32
    %scan3A_60 = arith.addi %scan3A_58, %scan3A_59 : i32
    %scan3A_61 = arith.constant 1 : i32
    scf.for %scan3A_192 = %scan3A_58 to %scan3A_60 step %scan3A_61  : i32 {
      %get3A = arith.index_cast %scan3A_192 : i32 to index
      %get3A_193 = arith.constant 0 : index
      %get3A_194 = tpu.vector_load %arg7[%get3A, %get3A_193] {strides = array<i32>} : memref<800x64xf32, #tpu.memory_space<vmem>>, vector<1x16xf32>,
      %get3A_195 = vector.shape_cast %get3A_194 : vector<1x16xf32> to vector<16xf32>
      %mul3A_196 = arith.constant 8.000000e+00 : f32
      %mul3A_197 = vector.broadcast %mul3A_196 : f32 to vector<16xf32>
      %mul3A_198 = arith.mulf %get3A_195, %mul3A_197 : vector<16xf32>
      %swap3A = arith.index_cast %scan3A_192 : i32 to index
      %swap3A_199 = arith.constant 0 : index
      %swap3A_200 = tpu.vector_load %arg7[%swap3A, %swap3A_199] {strides = array<i32>} : memref<800x64xf32, #tpu.memory_space<vmem>>, vector<1x16xf32>,
      %swap3A_201 = vector.shape_cast %swap3A_200 : vector<1x16xf32> to vector<16xf32>
      %swap3A_202 = vector.shape_cast %mul3A_198 : vector<16xf32> to vector<1x16xf32>
      tpu.vector_store %arg7[%swap3A, %swap3A_199], %swap3A_202 {strides = array<i32>} : memref<800x64xf32, #tpu.memory_space<vmem>>, vector<1x16xf32>,
      %get3A_203 = arith.index_cast %scan3A_192 : i32 to index
      %get3A_204 = arith.constant 16 : index
      %get3A_205 = tpu.vector_load %arg7[%get3A_203, %get3A_204] {strides = array<i32>} : memref<800x64xf32, #tpu.memory_space<vmem>>, vector<1x16xf32>,
      %get3A_206 = vector.shape_cast %get3A_205 : vector<1x16xf32> to vector<16xf32>
      %mul3A_207 = arith.constant 8.000000e+00 : f32
      %mul3A_208 = vector.broadcast %mul3A_207 : f32 to vector<16xf32>
      %mul3A_209 = arith.mulf %get3A_206, %mul3A_208 : vector<16xf32>
      %swap3A_210 = arith.index_cast %scan3A_192 : i32 to index
      %swap3A_211 = arith.constant 16 : index
      %swap3A_212 = tpu.vector_load %arg7[%swap3A_210, %swap3A_211] {strides = array<i32>} : memref<800x64xf32, #tpu.memory_space<vmem>>, vector<1x16xf32>,
      %swap3A_213 = vector.shape_cast %swap3A_212 : vector<1x16xf32> to vector<16xf32>
      %swap3A_214 = vector.shape_cast %mul3A_209 : vector<16xf32> to vector<1x16xf32>
      tpu.vector_store %arg7[%swap3A_210, %swap3A_211], %swap3A_214 {strides = array<i32>} : memref<800x64xf32, #tpu.memory_space<vmem>>, vector<1x16xf32>,
      %get3A_215 = arith.index_cast %scan3A_192 : i32 to index
      %get3A_216 = arith.constant 32 : index
      %get3A_217 = tpu.vector_load %arg7[%get3A_215, %get3A_216] {strides = array<i32>} : memref<800x64xf32, #tpu.memory_space<vmem>>, vector<1x16xf32>,
      %get3A_218 = vector.shape_cast %get3A_217 : vector<1x16xf32> to vector<16xf32>
      %mul3A_219 = arith.constant 8.000000e+00 : f32
      %mul3A_220 = vector.broadcast %mul3A_219 : f32 to vector<16xf32>
      %mul3A_221 = arith.mulf %get3A_218, %mul3A_220 : vector<16xf32>
      %swap3A_222 = arith.index_cast %scan3A_192 : i32 to index
      %swap3A_223 = arith.constant 32 : index
      %swap3A_224 = tpu.vector_load %arg7[%swap3A_222, %swap3A_223] {strides = array<i32>} : memref<800x64xf32, #tpu.memory_space<vmem>>, vector<1x16xf32>,
      %swap3A_225 = vector.shape_cast %swap3A_224 : vector<1x16xf32> to vector<16xf32>
      %swap3A_226 = vector.shape_cast %mul3A_221 : vector<16xf32> to vector<1x16xf32>
      tpu.vector_store %arg7[%swap3A_222, %swap3A_223], %swap3A_226 {strides = array<i32>} : memref<800x64xf32, #tpu.memory_space<vmem>>, vector<1x16xf32>,
      %get3A_227 = arith.index_cast %scan3A_192 : i32 to index
      %get3A_228 = arith.constant 48 : index
      %get3A_229 = tpu.vector_load %arg7[%get3A_227, %get3A_228] {strides = array<i32>} : memref<800x64xf32, #tpu.memory_space<vmem>>, vector<1x16xf32>,
      %get3A_230 = vector.shape_cast %get3A_229 : vector<1x16xf32> to vector<16xf32>
      %mul3A_231 = arith.constant 8.000000e+00 : f32
      %mul3A_232 = vector.broadcast %mul3A_231 : f32 to vector<16xf32>
      %mul3A_233 = arith.mulf %get3A_230, %mul3A_232 : vector<16xf32>
      %swap3A_234 = arith.index_cast %scan3A_192 : i32 to index
      %swap3A_235 = arith.constant 48 : index
      %swap3A_236 = tpu.vector_load %arg7[%swap3A_234, %swap3A_235] {strides = array<i32>} : memref<800x64xf32, #tpu.memory_space<vmem>>, vector<1x16xf32>,
      %swap3A_237 = vector.shape_cast %swap3A_236 : vector<1x16xf32> to vector<16xf32>
      %swap3A_238 = vector.shape_cast %mul3A_233 : vector<16xf32> to vector<1x16xf32>
      tpu.vector_store %arg7[%swap3A_234, %swap3A_235], %swap3A_238 {strides = array<i32>} : memref<800x64xf32, #tpu.memory_space<vmem>>, vector<1x16xf32>,
    }
    %scan3A_62 = arith.constant 800 : i32
    %add3A_63 = arith.constant 1600 : i32
    %add3A_64 = arith.addi %mul3A_2, %add3A_63 : i32
    %dma_start3A_65 = arith.constant 0 : i32
    %dma_start3A_66 = tpu.memref_slice %arg4[%add3A_64, %dma_start3A_65] : memref<204800x64xf32, #tpu.memory_space<hbm>> -> memref<800x64xf32, #tpu.memory_space<hbm>>
    %dma_start3A_67 = arith.constant 0 : i32
    %dma_start3A_68 = tpu.memref_slice %arg4[%add3A_64, %dma_start3A_67] : memref<204800x64xf32, #tpu.memory_space<hbm>> -> memref<800x64xf32, #tpu.memory_space<hbm>>
    tpu.enqueue_dma source(%arg7 : memref<800x64xf32, #tpu.memory_space<vmem>>) target(%dma_start3A_68 : memref<800x64xf32, #tpu.memory_space<hbm>>) target_semaphore(%arg11 : memref<!tpu.dma_semaphore, #tpu.memory_space<semaphore_mem>>)
    %add3A_69 = arith.constant 3200 : i32
    %add3A_70 = arith.addi %mul3A_2, %add3A_69 : i32
    "tpu.region"() ({
      %run_scoped3A = tpu.sem_alloc : memref<!tpu.dma_semaphore, #tpu.memory_space<semaphore_mem>>
      %dma_start3A_192 = tpu.memref_slice %arg2[%add3A_70] : memref<204800xi32, #tpu.memory_space<hbm>> -> memref<800xi32, #tpu.memory_space<hbm>>
      %dma_start3A_193 = tpu.memref_slice %arg2[%add3A_70] : memref<204800xi32, #tpu.memory_space<hbm>> -> memref<800xi32, #tpu.memory_space<hbm>>
      tpu.enqueue_dma source(%dma_start3A_193 : memref<800xi32, #tpu.memory_space<hbm>>) target(%arg5 : memref<800xi32, #tpu.memory_space<vmem>>) target_semaphore(%run_scoped3A : memref<!tpu.dma_semaphore, #tpu.memory_space<semaphore_mem>>)
      %dma_wait3A_194 = tpu.memref_slice %arg2[%add3A_70] : memref<204800xi32, #tpu.memory_space<hbm>> -> memref<800xi32, #tpu.memory_space<hbm>>
      %dma_wait3A_195 = tpu.memref_slice %arg2[%add3A_70] : memref<204800xi32, #tpu.memory_space<hbm>> -> memref<800xi32, #tpu.memory_space<hbm>>
      tpu.wait_dma2 semaphore(%run_scoped3A : memref<!tpu.dma_semaphore, #tpu.memory_space<semaphore_mem>>) src(%dma_wait3A_195 : memref<800xi32, #tpu.memory_space<hbm>>) dst(%arg5 : memref<800xi32, #tpu.memory_space<vmem>>)
      tpu.yield
    }) : () -> ()
    %dma_start3A_71 = arith.constant 0 : i32
    %dma_start3A_72 = arith.constant 0 : i32
    %dma_start3A_73 = tpu.memref_slice %arg3[%dma_start3A_71, %dma_start3A_72] : memref<1000000x64xf32, #tpu.memory_space<hbm>> -> memref<1000000x64xf32, #tpu.memory_space<hbm>>
    tpu.enqueue_indirect_dma source(%dma_start3A_73 : memref<1000000x64xf32, #tpu.memory_space<hbm>>) target(%arg7 : memref<800x64xf32, #tpu.memory_space<vmem>>) offsets(%arg5 : memref<800xi32, #tpu.memory_space<vmem>>) semaphore(%arg9 : memref<!tpu.dma_semaphore, #tpu.memory_space<semaphore_mem>>)
    %dma_wait3A_74 = arith.constant 0 : i32
    %dma_wait3A_75 = arith.constant 0 : i32
    %dma_wait3A_76 = tpu.memref_slice %arg3[%dma_wait3A_74, %dma_wait3A_75] : memref<1000000x64xf32, #tpu.memory_space<hbm>> -> memref<1000000x64xf32, #tpu.memory_space<hbm>>
    tpu.wait_indirect_dma semaphore(%arg10 : memref<!tpu.dma_semaphore, #tpu.memory_space<semaphore_mem>>) src(%dma_wait3A_76 : memref<1000000x64xf32, #tpu.memory_space<hbm>>) dst(%arg8 : memref<800x64xf32, #tpu.memory_space<vmem>>)
    %dma_wait3A_77 = arith.constant 0 : i32
    %dma_wait3A_78 = tpu.memref_slice %arg4[%mul3A_2, %dma_wait3A_77] : memref<204800x64xf32, #tpu.memory_space<hbm>> -> memref<800x64xf32, #tpu.memory_space<hbm>>
    %dma_wait3A_79 = arith.constant 0 : i32
    %dma_wait3A_80 = tpu.memref_slice %arg4[%mul3A_2, %dma_wait3A_79] : memref<204800x64xf32, #tpu.memory_space<hbm>> -> memref<800x64xf32, #tpu.memory_space<hbm>>
    tpu.wait_dma2 semaphore(%arg11 : memref<!tpu.dma_semaphore, #tpu.memory_space<semaphore_mem>>) src(%arg8 : memref<800x64xf32, #tpu.memory_space<vmem>>) dst(%dma_wait3A_80 : memref<800x64xf32, #tpu.memory_space<hbm>>)
    %scan3A_81 = arith.constant 0 : i32
    %scan3A_82 = arith.constant 0 : i32
    %scan3A_83 = arith.constant 800 : i32
    %scan3A_84 = arith.addi %scan3A_82, %scan3A_83 : i32
    %scan3A_85 = arith.constant 1 : i32
    scf.for %scan3A_192 = %scan3A_82 to %scan3A_84 step %scan3A_85  : i32 {
      %get3A = arith.index_cast %scan3A_192 : i32 to index
      %get3A_193 = arith.constant 0 : index
      %get3A_194 = tpu.vector_load %arg8[%get3A, %get3A_193] {strides = array<i32>} : memref<800x64xf32, #tpu.memory_space<vmem>>, vector<1x16xf32>,
      %get3A_195 = vector.shape_cast %get3A_194 : vector<1x16xf32> to vector<16xf32>
      %mul3A_196 = arith.constant 8.000000e+00 : f32
      %mul3A_197 = vector.broadcast %mul3A_196 : f32 to vector<16xf32>
      %mul3A_198 = arith.mulf %get3A_195, %mul3A_197 : vector<16xf32>
      %swap3A = arith.index_cast %scan3A_192 : i32 to index
      %swap3A_199 = arith.constant 0 : index
      %swap3A_200 = tpu.vector_load %arg8[%swap3A, %swap3A_199] {strides = array<i32>} : memref<800x64xf32, #tpu.memory_space<vmem>>, vector<1x16xf32>,
      %swap3A_201 = vector.shape_cast %swap3A_200 : vector<1x16xf32> to vector<16xf32>
      %swap3A_202 = vector.shape_cast %mul3A_198 : vector<16xf32> to vector<1x16xf32>
      tpu.vector_store %arg8[%swap3A, %swap3A_199], %swap3A_202 {strides = array<i32>} : memref<800x64xf32, #tpu.memory_space<vmem>>, vector<1x16xf32>,
      %get3A_203 = arith.index_cast %scan3A_192 : i32 to index
      %get3A_204 = arith.constant 16 : index
      %get3A_205 = tpu.vector_load %arg8[%get3A_203, %get3A_204] {strides = array<i32>} : memref<800x64xf32, #tpu.memory_space<vmem>>, vector<1x16xf32>,
      %get3A_206 = vector.shape_cast %get3A_205 : vector<1x16xf32> to vector<16xf32>
      %mul3A_207 = arith.constant 8.000000e+00 : f32
      %mul3A_208 = vector.broadcast %mul3A_207 : f32 to vector<16xf32>
      %mul3A_209 = arith.mulf %get3A_206, %mul3A_208 : vector<16xf32>
      %swap3A_210 = arith.index_cast %scan3A_192 : i32 to index
      %swap3A_211 = arith.constant 16 : index
      %swap3A_212 = tpu.vector_load %arg8[%swap3A_210, %swap3A_211] {strides = array<i32>} : memref<800x64xf32, #tpu.memory_space<vmem>>, vector<1x16xf32>,
      %swap3A_213 = vector.shape_cast %swap3A_212 : vector<1x16xf32> to vector<16xf32>
      %swap3A_214 = vector.shape_cast %mul3A_209 : vector<16xf32> to vector<1x16xf32>
      tpu.vector_store %arg8[%swap3A_210, %swap3A_211], %swap3A_214 {strides = array<i32>} : memref<800x64xf32, #tpu.memory_space<vmem>>, vector<1x16xf32>,
      %get3A_215 = arith.index_cast %scan3A_192 : i32 to index
      %get3A_216 = arith.constant 32 : index
      %get3A_217 = tpu.vector_load %arg8[%get3A_215, %get3A_216] {strides = array<i32>} : memref<800x64xf32, #tpu.memory_space<vmem>>, vector<1x16xf32>,
      %get3A_218 = vector.shape_cast %get3A_217 : vector<1x16xf32> to vector<16xf32>
      %mul3A_219 = arith.constant 8.000000e+00 : f32
      %mul3A_220 = vector.broadcast %mul3A_219 : f32 to vector<16xf32>
      %mul3A_221 = arith.mulf %get3A_218, %mul3A_220 : vector<16xf32>
      %swap3A_222 = arith.index_cast %scan3A_192 : i32 to index
      %swap3A_223 = arith.constant 32 : index
      %swap3A_224 = tpu.vector_load %arg8[%swap3A_222, %swap3A_223] {strides = array<i32>} : memref<800x64xf32, #tpu.memory_space<vmem>>, vector<1x16xf32>,
      %swap3A_225 = vector.shape_cast %swap3A_224 : vector<1x16xf32> to vector<16xf32>
      %swap3A_226 = vector.shape_cast %mul3A_221 : vector<16xf32> to vector<1x16xf32>
      tpu.vector_store %arg8[%swap3A_222, %swap3A_223], %swap3A_226 {strides = array<i32>} : memref<800x64xf32, #tpu.memory_space<vmem>>, vector<1x16xf32>,
      %get3A_227 = arith.index_cast %scan3A_192 : i32 to index
      %get3A_228 = arith.constant 48 : index
      %get3A_229 = tpu.vector_load %arg8[%get3A_227, %get3A_228] {strides = array<i32>} : memref<800x64xf32, #tpu.memory_space<vmem>>, vector<1x16xf32>,
      %get3A_230 = vector.shape_cast %get3A_229 : vector<1x16xf32> to vector<16xf32>
      %mul3A_231 = arith.constant 8.000000e+00 : f32
      %mul3A_232 = vector.broadcast %mul3A_231 : f32 to vector<16xf32>
      %mul3A_233 = arith.mulf %get3A_230, %mul3A_232 : vector<16xf32>
      %swap3A_234 = arith.index_cast %scan3A_192 : i32 to index
      %swap3A_235 = arith.constant 48 : index
      %swap3A_236 = tpu.vector_load %arg8[%swap3A_234, %swap3A_235] {strides = array<i32>} : memref<800x64xf32, #tpu.memory_space<vmem>>, vector<1x16xf32>,
      %swap3A_237 = vector.shape_cast %swap3A_236 : vector<1x16xf32> to vector<16xf32>
      %swap3A_238 = vector.shape_cast %mul3A_233 : vector<16xf32> to vector<1x16xf32>
      tpu.vector_store %arg8[%swap3A_234, %swap3A_235], %swap3A_238 {strides = array<i32>} : memref<800x64xf32, #tpu.memory_space<vmem>>, vector<1x16xf32>,
    }
    %scan3A_86 = arith.constant 800 : i32
    %add3A_87 = arith.constant 2400 : i32
    %add3A_88 = arith.addi %mul3A_2, %add3A_87 : i32
    %dma_start3A_89 = arith.constant 0 : i32
    %dma_start3A_90 = tpu.memref_slice %arg4[%add3A_88, %dma_start3A_89] : memref<204800x64xf32, #tpu.memory_space<hbm>> -> memref<800x64xf32, #tpu.memory_space<hbm>>
    %dma_start3A_91 = arith.constant 0 : i32
    %dma_start3A_92 = tpu.memref_slice %arg4[%add3A_88, %dma_start3A_91] : memref<204800x64xf32, #tpu.memory_space<hbm>> -> memref<800x64xf32, #tpu.memory_space<hbm>>
    tpu.enqueue_dma source(%arg8 : memref<800x64xf32, #tpu.memory_space<vmem>>) target(%dma_start3A_92 : memref<800x64xf32, #tpu.memory_space<hbm>>) target_semaphore(%arg11 : memref<!tpu.dma_semaphore, #tpu.memory_space<semaphore_mem>>)
    %add3A_93 = arith.constant 4000 : i32
    %add3A_94 = arith.addi %mul3A_2, %add3A_93 : i32
    "tpu.region"() ({
      %run_scoped3A = tpu.sem_alloc : memref<!tpu.dma_semaphore, #tpu.memory_space<semaphore_mem>>
      %dma_start3A_192 = tpu.memref_slice %arg2[%add3A_94] : memref<204800xi32, #tpu.memory_space<hbm>> -> memref<800xi32, #tpu.memory_space<hbm>>
      %dma_start3A_193 = tpu.memref_slice %arg2[%add3A_94] : memref<204800xi32, #tpu.memory_space<hbm>> -> memref<800xi32, #tpu.memory_space<hbm>>
      tpu.enqueue_dma source(%dma_start3A_193 : memref<800xi32, #tpu.memory_space<hbm>>) target(%arg6 : memref<800xi32, #tpu.memory_space<vmem>>) target_semaphore(%run_scoped3A : memref<!tpu.dma_semaphore, #tpu.memory_space<semaphore_mem>>)
      %dma_wait3A_194 = tpu.memref_slice %arg2[%add3A_94] : memref<204800xi32, #tpu.memory_space<hbm>> -> memref<800xi32, #tpu.memory_space<hbm>>
      %dma_wait3A_195 = tpu.memref_slice %arg2[%add3A_94] : memref<204800xi32, #tpu.memory_space<hbm>> -> memref<800xi32, #tpu.memory_space<hbm>>
      tpu.wait_dma2 semaphore(%run_scoped3A : memref<!tpu.dma_semaphore, #tpu.memory_space<semaphore_mem>>) src(%dma_wait3A_195 : memref<800xi32, #tpu.memory_space<hbm>>) dst(%arg6 : memref<800xi32, #tpu.memory_space<vmem>>)
      tpu.yield
    }) : () -> ()
    %dma_start3A_95 = arith.constant 0 : i32
    %dma_start3A_96 = arith.constant 0 : i32
    %dma_start3A_97 = tpu.memref_slice %arg3[%dma_start3A_95, %dma_start3A_96] : memref<1000000x64xf32, #tpu.memory_space<hbm>> -> memref<1000000x64xf32, #tpu.memory_space<hbm>>
    tpu.enqueue_indirect_dma source(%dma_start3A_97 : memref<1000000x64xf32, #tpu.memory_space<hbm>>) target(%arg8 : memref<800x64xf32, #tpu.memory_space<vmem>>) offsets(%arg6 : memref<800xi32, #tpu.memory_space<vmem>>) semaphore(%arg10 : memref<!tpu.dma_semaphore, #tpu.memory_space<semaphore_mem>>)
    %dma_wait3A_98 = arith.constant 0 : i32
    %dma_wait3A_99 = arith.constant 0 : i32
    %dma_wait3A_100 = tpu.memref_slice %arg3[%dma_wait3A_98, %dma_wait3A_99] : memref<1000000x64xf32, #tpu.memory_space<hbm>> -> memref<1000000x64xf32, #tpu.memory_space<hbm>>
    tpu.wait_indirect_dma semaphore(%arg9 : memref<!tpu.dma_semaphore, #tpu.memory_space<semaphore_mem>>) src(%dma_wait3A_100 : memref<1000000x64xf32, #tpu.memory_space<hbm>>) dst(%arg7 : memref<800x64xf32, #tpu.memory_space<vmem>>)
    %dma_wait3A_101 = arith.constant 0 : i32
    %dma_wait3A_102 = tpu.memref_slice %arg4[%mul3A_2, %dma_wait3A_101] : memref<204800x64xf32, #tpu.memory_space<hbm>> -> memref<800x64xf32, #tpu.memory_space<hbm>>
    %dma_wait3A_103 = arith.constant 0 : i32
    %dma_wait3A_104 = tpu.memref_slice %arg4[%mul3A_2, %dma_wait3A_103] : memref<204800x64xf32, #tpu.memory_space<hbm>> -> memref<800x64xf32, #tpu.memory_space<hbm>>
    tpu.wait_dma2 semaphore(%arg11 : memref<!tpu.dma_semaphore, #tpu.memory_space<semaphore_mem>>) src(%arg7 : memref<800x64xf32, #tpu.memory_space<vmem>>) dst(%dma_wait3A_104 : memref<800x64xf32, #tpu.memory_space<hbm>>)
    %scan3A_105 = arith.constant 0 : i32
    %scan3A_106 = arith.constant 0 : i32
    %scan3A_107 = arith.constant 800 : i32
    %scan3A_108 = arith.addi %scan3A_106, %scan3A_107 : i32
    %scan3A_109 = arith.constant 1 : i32
    scf.for %scan3A_192 = %scan3A_106 to %scan3A_108 step %scan3A_109  : i32 {
      %get3A = arith.index_cast %scan3A_192 : i32 to index
      %get3A_193 = arith.constant 0 : index
      %get3A_194 = tpu.vector_load %arg7[%get3A, %get3A_193] {strides = array<i32>} : memref<800x64xf32, #tpu.memory_space<vmem>>, vector<1x16xf32>,
      %get3A_195 = vector.shape_cast %get3A_194 : vector<1x16xf32> to vector<16xf32>
      %mul3A_196 = arith.constant 8.000000e+00 : f32
      %mul3A_197 = vector.broadcast %mul3A_196 : f32 to vector<16xf32>
      %mul3A_198 = arith.mulf %get3A_195, %mul3A_197 : vector<16xf32>
      %swap3A = arith.index_cast %scan3A_192 : i32 to index
      %swap3A_199 = arith.constant 0 : index
      %swap3A_200 = tpu.vector_load %arg7[%swap3A, %swap3A_199] {strides = array<i32>} : memref<800x64xf32, #tpu.memory_space<vmem>>, vector<1x16xf32>,
      %swap3A_201 = vector.shape_cast %swap3A_200 : vector<1x16xf32> to vector<16xf32>
      %swap3A_202 = vector.shape_cast %mul3A_198 : vector<16xf32> to vector<1x16xf32>
      tpu.vector_store %arg7[%swap3A, %swap3A_199], %swap3A_202 {strides = array<i32>} : memref<800x64xf32, #tpu.memory_space<vmem>>, vector<1x16xf32>,
      %get3A_203 = arith.index_cast %scan3A_192 : i32 to index
      %get3A_204 = arith.constant 16 : index
      %get3A_205 = tpu.vector_load %arg7[%get3A_203, %get3A_204] {strides = array<i32>} : memref<800x64xf32, #tpu.memory_space<vmem>>, vector<1x16xf32>,
      %get3A_206 = vector.shape_cast %get3A_205 : vector<1x16xf32> to vector<16xf32>
      %mul3A_207 = arith.constant 8.000000e+00 : f32
      %mul3A_208 = vector.broadcast %mul3A_207 : f32 to vector<16xf32>
      %mul3A_209 = arith.mulf %get3A_206, %mul3A_208 : vector<16xf32>
      %swap3A_210 = arith.index_cast %scan3A_192 : i32 to index
      %swap3A_211 = arith.constant 16 : index
      %swap3A_212 = tpu.vector_load %arg7[%swap3A_210, %swap3A_211] {strides = array<i32>} : memref<800x64xf32, #tpu.memory_space<vmem>>, vector<1x16xf32>,
      %swap3A_213 = vector.shape_cast %swap3A_212 : vector<1x16xf32> to vector<16xf32>
      %swap3A_214 = vector.shape_cast %mul3A_209 : vector<16xf32> to vector<1x16xf32>
      tpu.vector_store %arg7[%swap3A_210, %swap3A_211], %swap3A_214 {strides = array<i32>} : memref<800x64xf32, #tpu.memory_space<vmem>>, vector<1x16xf32>,
      %get3A_215 = arith.index_cast %scan3A_192 : i32 to index
      %get3A_216 = arith.constant 32 : index
      %get3A_217 = tpu.vector_load %arg7[%get3A_215, %get3A_216] {strides = array<i32>} : memref<800x64xf32, #tpu.memory_space<vmem>>, vector<1x16xf32>,
      %get3A_218 = vector.shape_cast %get3A_217 : vector<1x16xf32> to vector<16xf32>
      %mul3A_219 = arith.constant 8.000000e+00 : f32
      %mul3A_220 = vector.broadcast %mul3A_219 : f32 to vector<16xf32>
      %mul3A_221 = arith.mulf %get3A_218, %mul3A_220 : vector<16xf32>
      %swap3A_222 = arith.index_cast %scan3A_192 : i32 to index
      %swap3A_223 = arith.constant 32 : index
      %swap3A_224 = tpu.vector_load %arg7[%swap3A_222, %swap3A_223] {strides = array<i32>} : memref<800x64xf32, #tpu.memory_space<vmem>>, vector<1x16xf32>,
      %swap3A_225 = vector.shape_cast %swap3A_224 : vector<1x16xf32> to vector<16xf32>
      %swap3A_226 = vector.shape_cast %mul3A_221 : vector<16xf32> to vector<1x16xf32>
      tpu.vector_store %arg7[%swap3A_222, %swap3A_223], %swap3A_226 {strides = array<i32>} : memref<800x64xf32, #tpu.memory_space<vmem>>, vector<1x16xf32>,
      %get3A_227 = arith.index_cast %scan3A_192 : i32 to index
      %get3A_228 = arith.constant 48 : index
      %get3A_229 = tpu.vector_load %arg7[%get3A_227, %get3A_228] {strides = array<i32>} : memref<800x64xf32, #tpu.memory_space<vmem>>, vector<1x16xf32>,
      %get3A_230 = vector.shape_cast %get3A_229 : vector<1x16xf32> to vector<16xf32>
      %mul3A_231 = arith.constant 8.000000e+00 : f32
      %mul3A_232 = vector.broadcast %mul3A_231 : f32 to vector<16xf32>
      %mul3A_233 = arith.mulf %get3A_230, %mul3A_232 : vector<16xf32>
      %swap3A_234 = arith.index_cast %scan3A_192 : i32 to index
      %swap3A_235 = arith.constant 48 : index
      %swap3A_236 = tpu.vector_load %arg7[%swap3A_234, %swap3A_235] {strides = array<i32>} : memref<800x64xf32, #tpu.memory_space<vmem>>, vector<1x16xf32>,
      %swap3A_237 = vector.shape_cast %swap3A_236 : vector<1x16xf32> to vector<16xf32>
      %swap3A_238 = vector.shape_cast %mul3A_233 : vector<16xf32> to vector<1x16xf32>
      tpu.vector_store %arg7[%swap3A_234, %swap3A_235], %swap3A_238 {strides = array<i32>} : memref<800x64xf32, #tpu.memory_space<vmem>>, vector<1x16xf32>,
    }
    %scan3A_110 = arith.constant 800 : i32
    %add3A_111 = arith.constant 3200 : i32
    %add3A_112 = arith.addi %mul3A_2, %add3A_111 : i32
    %dma_start3A_113 = arith.constant 0 : i32
    %dma_start3A_114 = tpu.memref_slice %arg4[%add3A_112, %dma_start3A_113] : memref<204800x64xf32, #tpu.memory_space<hbm>> -> memref<800x64xf32, #tpu.memory_space<hbm>>
    %dma_start3A_115 = arith.constant 0 : i32
    %dma_start3A_116 = tpu.memref_slice %arg4[%add3A_112, %dma_start3A_115] : memref<204800x64xf32, #tpu.memory_space<hbm>> -> memref<800x64xf32, #tpu.memory_space<hbm>>
    tpu.enqueue_dma source(%arg7 : memref<800x64xf32, #tpu.memory_space<vmem>>) target(%dma_start3A_116 : memref<800x64xf32, #tpu.memory_space<hbm>>) target_semaphore(%arg11 : memref<!tpu.dma_semaphore, #tpu.memory_space<semaphore_mem>>)
    %add3A_117 = arith.constant 4800 : i32
    %add3A_118 = arith.addi %mul3A_2, %add3A_117 : i32
    "tpu.region"() ({
      %run_scoped3A = tpu.sem_alloc : memref<!tpu.dma_semaphore, #tpu.memory_space<semaphore_mem>>
      %dma_start3A_192 = tpu.memref_slice %arg2[%add3A_118] : memref<204800xi32, #tpu.memory_space<hbm>> -> memref<800xi32, #tpu.memory_space<hbm>>
      %dma_start3A_193 = tpu.memref_slice %arg2[%add3A_118] : memref<204800xi32, #tpu.memory_space<hbm>> -> memref<800xi32, #tpu.memory_space<hbm>>
      tpu.enqueue_dma source(%dma_start3A_193 : memref<800xi32, #tpu.memory_space<hbm>>) target(%arg5 : memref<800xi32, #tpu.memory_space<vmem>>) target_semaphore(%run_scoped3A : memref<!tpu.dma_semaphore, #tpu.memory_space<semaphore_mem>>)
      %dma_wait3A_194 = tpu.memref_slice %arg2[%add3A_118] : memref<204800xi32, #tpu.memory_space<hbm>> -> memref<800xi32, #tpu.memory_space<hbm>>
      %dma_wait3A_195 = tpu.memref_slice %arg2[%add3A_118] : memref<204800xi32, #tpu.memory_space<hbm>> -> memref<800xi32, #tpu.memory_space<hbm>>
      tpu.wait_dma2 semaphore(%run_scoped3A : memref<!tpu.dma_semaphore, #tpu.memory_space<semaphore_mem>>) src(%dma_wait3A_195 : memref<800xi32, #tpu.memory_space<hbm>>) dst(%arg5 : memref<800xi32, #tpu.memory_space<vmem>>)
      tpu.yield
    }) : () -> ()
    %dma_start3A_119 = arith.constant 0 : i32
    %dma_start3A_120 = arith.constant 0 : i32
    %dma_start3A_121 = tpu.memref_slice %arg3[%dma_start3A_119, %dma_start3A_120] : memref<1000000x64xf32, #tpu.memory_space<hbm>> -> memref<1000000x64xf32, #tpu.memory_space<hbm>>
    tpu.enqueue_indirect_dma source(%dma_start3A_121 : memref<1000000x64xf32, #tpu.memory_space<hbm>>) target(%arg7 : memref<800x64xf32, #tpu.memory_space<vmem>>) offsets(%arg5 : memref<800xi32, #tpu.memory_space<vmem>>) semaphore(%arg9 : memref<!tpu.dma_semaphore, #tpu.memory_space<semaphore_mem>>)
    %dma_wait3A_122 = arith.constant 0 : i32
    %dma_wait3A_123 = arith.constant 0 : i32
    %dma_wait3A_124 = tpu.memref_slice %arg3[%dma_wait3A_122, %dma_wait3A_123] : memref<1000000x64xf32, #tpu.memory_space<hbm>> -> memref<1000000x64xf32, #tpu.memory_space<hbm>>
    tpu.wait_indirect_dma semaphore(%arg10 : memref<!tpu.dma_semaphore, #tpu.memory_space<semaphore_mem>>) src(%dma_wait3A_124 : memref<1000000x64xf32, #tpu.memory_space<hbm>>) dst(%arg8 : memref<800x64xf32, #tpu.memory_space<vmem>>)
    %dma_wait3A_125 = arith.constant 0 : i32
    %dma_wait3A_126 = tpu.memref_slice %arg4[%mul3A_2, %dma_wait3A_125] : memref<204800x64xf32, #tpu.memory_space<hbm>> -> memref<800x64xf32, #tpu.memory_space<hbm>>
    %dma_wait3A_127 = arith.constant 0 : i32
    %dma_wait3A_128 = tpu.memref_slice %arg4[%mul3A_2, %dma_wait3A_127] : memref<204800x64xf32, #tpu.memory_space<hbm>> -> memref<800x64xf32, #tpu.memory_space<hbm>>
    tpu.wait_dma2 semaphore(%arg11 : memref<!tpu.dma_semaphore, #tpu.memory_space<semaphore_mem>>) src(%arg8 : memref<800x64xf32, #tpu.memory_space<vmem>>) dst(%dma_wait3A_128 : memref<800x64xf32, #tpu.memory_space<hbm>>)
    %scan3A_129 = arith.constant 0 : i32
    %scan3A_130 = arith.constant 0 : i32
    %scan3A_131 = arith.constant 800 : i32
    %scan3A_132 = arith.addi %scan3A_130, %scan3A_131 : i32
    %scan3A_133 = arith.constant 1 : i32
    scf.for %scan3A_192 = %scan3A_130 to %scan3A_132 step %scan3A_133  : i32 {
      %get3A = arith.index_cast %scan3A_192 : i32 to index
      %get3A_193 = arith.constant 0 : index
      %get3A_194 = tpu.vector_load %arg8[%get3A, %get3A_193] {strides = array<i32>} : memref<800x64xf32, #tpu.memory_space<vmem>>, vector<1x16xf32>,
      %get3A_195 = vector.shape_cast %get3A_194 : vector<1x16xf32> to vector<16xf32>
      %mul3A_196 = arith.constant 8.000000e+00 : f32
      %mul3A_197 = vector.broadcast %mul3A_196 : f32 to vector<16xf32>
      %mul3A_198 = arith.mulf %get3A_195, %mul3A_197 : vector<16xf32>
      %swap3A = arith.index_cast %scan3A_192 : i32 to index
      %swap3A_199 = arith.constant 0 : index
      %swap3A_200 = tpu.vector_load %arg8[%swap3A, %swap3A_199] {strides = array<i32>} : memref<800x64xf32, #tpu.memory_space<vmem>>, vector<1x16xf32>,
      %swap3A_201 = vector.shape_cast %swap3A_200 : vector<1x16xf32> to vector<16xf32>
      %swap3A_202 = vector.shape_cast %mul3A_198 : vector<16xf32> to vector<1x16xf32>
      tpu.vector_store %arg8[%swap3A, %swap3A_199], %swap3A_202 {strides = array<i32>} : memref<800x64xf32, #tpu.memory_space<vmem>>, vector<1x16xf32>,
      %get3A_203 = arith.index_cast %scan3A_192 : i32 to index
      %get3A_204 = arith.constant 16 : index
      %get3A_205 = tpu.vector_load %arg8[%get3A_203, %get3A_204] {strides = array<i32>} : memref<800x64xf32, #tpu.memory_space<vmem>>, vector<1x16xf32>,
      %get3A_206 = vector.shape_cast %get3A_205 : vector<1x16xf32> to vector<16xf32>
      %mul3A_207 = arith.constant 8.000000e+00 : f32
      %mul3A_208 = vector.broadcast %mul3A_207 : f32 to vector<16xf32>
      %mul3A_209 = arith.mulf %get3A_206, %mul3A_208 : vector<16xf32>
      %swap3A_210 = arith.index_cast %scan3A_192 : i32 to index
      %swap3A_211 = arith.constant 16 : index
      %swap3A_212 = tpu.vector_load %arg8[%swap3A_210, %swap3A_211] {strides = array<i32>} : memref<800x64xf32, #tpu.memory_space<vmem>>, vector<1x16xf32>,
      %swap3A_213 = vector.shape_cast %swap3A_212 : vector<1x16xf32> to vector<16xf32>
      %swap3A_214 = vector.shape_cast %mul3A_209 : vector<16xf32> to vector<1x16xf32>
      tpu.vector_store %arg8[%swap3A_210, %swap3A_211], %swap3A_214 {strides = array<i32>} : memref<800x64xf32, #tpu.memory_space<vmem>>, vector<1x16xf32>,
      %get3A_215 = arith.index_cast %scan3A_192 : i32 to index
      %get3A_216 = arith.constant 32 : index
      %get3A_217 = tpu.vector_load %arg8[%get3A_215, %get3A_216] {strides = array<i32>} : memref<800x64xf32, #tpu.memory_space<vmem>>, vector<1x16xf32>,
      %get3A_218 = vector.shape_cast %get3A_217 : vector<1x16xf32> to vector<16xf32>
      %mul3A_219 = arith.constant 8.000000e+00 : f32
      %mul3A_220 = vector.broadcast %mul3A_219 : f32 to vector<16xf32>
      %mul3A_221 = arith.mulf %get3A_218, %mul3A_220 : vector<16xf32>
      %swap3A_222 = arith.index_cast %scan3A_192 : i32 to index
      %swap3A_223 = arith.constant 32 : index
      %swap3A_224 = tpu.vector_load %arg8[%swap3A_222, %swap3A_223] {strides = array<i32>} : memref<800x64xf32, #tpu.memory_space<vmem>>, vector<1x16xf32>,
      %swap3A_225 = vector.shape_cast %swap3A_224 : vector<1x16xf32> to vector<16xf32>
      %swap3A_226 = vector.shape_cast %mul3A_221 : vector<16xf32> to vector<1x16xf32>
      tpu.vector_store %arg8[%swap3A_222, %swap3A_223], %swap3A_226 {strides = array<i32>} : memref<800x64xf32, #tpu.memory_space<vmem>>, vector<1x16xf32>,
      %get3A_227 = arith.index_cast %scan3A_192 : i32 to index
      %get3A_228 = arith.constant 48 : index
      %get3A_229 = tpu.vector_load %arg8[%get3A_227, %get3A_228] {strides = array<i32>} : memref<800x64xf32, #tpu.memory_space<vmem>>, vector<1x16xf32>,
      %get3A_230 = vector.shape_cast %get3A_229 : vector<1x16xf32> to vector<16xf32>
      %mul3A_231 = arith.constant 8.000000e+00 : f32
      %mul3A_232 = vector.broadcast %mul3A_231 : f32 to vector<16xf32>
      %mul3A_233 = arith.mulf %get3A_230, %mul3A_232 : vector<16xf32>
      %swap3A_234 = arith.index_cast %scan3A_192 : i32 to index
      %swap3A_235 = arith.constant 48 : index
      %swap3A_236 = tpu.vector_load %arg8[%swap3A_234, %swap3A_235] {strides = array<i32>} : memref<800x64xf32, #tpu.memory_space<vmem>>, vector<1x16xf32>,
      %swap3A_237 = vector.shape_cast %swap3A_236 : vector<1x16xf32> to vector<16xf32>
      %swap3A_238 = vector.shape_cast %mul3A_233 : vector<16xf32> to vector<1x16xf32>
      tpu.vector_store %arg8[%swap3A_234, %swap3A_235], %swap3A_238 {strides = array<i32>} : memref<800x64xf32, #tpu.memory_space<vmem>>, vector<1x16xf32>,
    }
    %scan3A_134 = arith.constant 800 : i32
    %add3A_135 = arith.constant 4000 : i32
    %add3A_136 = arith.addi %mul3A_2, %add3A_135 : i32
    %dma_start3A_137 = arith.constant 0 : i32
    %dma_start3A_138 = tpu.memref_slice %arg4[%add3A_136, %dma_start3A_137] : memref<204800x64xf32, #tpu.memory_space<hbm>> -> memref<800x64xf32, #tpu.memory_space<hbm>>
    %dma_start3A_139 = arith.constant 0 : i32
    %dma_start3A_140 = tpu.memref_slice %arg4[%add3A_136, %dma_start3A_139] : memref<204800x64xf32, #tpu.memory_space<hbm>> -> memref<800x64xf32, #tpu.memory_space<hbm>>
    tpu.enqueue_dma source(%arg8 : memref<800x64xf32, #tpu.memory_space<vmem>>) target(%dma_start3A_140 : memref<800x64xf32, #tpu.memory_space<hbm>>) target_semaphore(%arg11 : memref<!tpu.dma_semaphore, #tpu.memory_space<semaphore_mem>>)
    %add3A_141 = arith.constant 5600 : i32
    %add3A_142 = arith.addi %mul3A_2, %add3A_141 : i32
    "tpu.region"() ({
      %run_scoped3A = tpu.sem_alloc : memref<!tpu.dma_semaphore, #tpu.memory_space<semaphore_mem>>
      %dma_start3A_192 = tpu.memref_slice %arg2[%add3A_142] : memref<204800xi32, #tpu.memory_space<hbm>> -> memref<800xi32, #tpu.memory_space<hbm>>
      %dma_start3A_193 = tpu.memref_slice %arg2[%add3A_142] : memref<204800xi32, #tpu.memory_space<hbm>> -> memref<800xi32, #tpu.memory_space<hbm>>
      tpu.enqueue_dma source(%dma_start3A_193 : memref<800xi32, #tpu.memory_space<hbm>>) target(%arg6 : memref<800xi32, #tpu.memory_space<vmem>>) target_semaphore(%run_scoped3A : memref<!tpu.dma_semaphore, #tpu.memory_space<semaphore_mem>>)
      %dma_wait3A_194 = tpu.memref_slice %arg2[%add3A_142] : memref<204800xi32, #tpu.memory_space<hbm>> -> memref<800xi32, #tpu.memory_space<hbm>>
      %dma_wait3A_195 = tpu.memref_slice %arg2[%add3A_142] : memref<204800xi32, #tpu.memory_space<hbm>> -> memref<800xi32, #tpu.memory_space<hbm>>
      tpu.wait_dma2 semaphore(%run_scoped3A : memref<!tpu.dma_semaphore, #tpu.memory_space<semaphore_mem>>) src(%dma_wait3A_195 : memref<800xi32, #tpu.memory_space<hbm>>) dst(%arg6 : memref<800xi32, #tpu.memory_space<vmem>>)
      tpu.yield
    }) : () -> ()
    %dma_start3A_143 = arith.constant 0 : i32
    %dma_start3A_144 = arith.constant 0 : i32
    %dma_start3A_145 = tpu.memref_slice %arg3[%dma_start3A_143, %dma_start3A_144] : memref<1000000x64xf32, #tpu.memory_space<hbm>> -> memref<1000000x64xf32, #tpu.memory_space<hbm>>
    tpu.enqueue_indirect_dma source(%dma_start3A_145 : memref<1000000x64xf32, #tpu.memory_space<hbm>>) target(%arg8 : memref<800x64xf32, #tpu.memory_space<vmem>>) offsets(%arg6 : memref<800xi32, #tpu.memory_space<vmem>>) semaphore(%arg10 : memref<!tpu.dma_semaphore, #tpu.memory_space<semaphore_mem>>)
    %dma_wait3A_146 = arith.constant 0 : i32
    %dma_wait3A_147 = arith.constant 0 : i32
    %dma_wait3A_148 = tpu.memref_slice %arg3[%dma_wait3A_146, %dma_wait3A_147] : memref<1000000x64xf32, #tpu.memory_space<hbm>> -> memref<1000000x64xf32, #tpu.memory_space<hbm>>
    tpu.wait_indirect_dma semaphore(%arg9 : memref<!tpu.dma_semaphore, #tpu.memory_space<semaphore_mem>>) src(%dma_wait3A_148 : memref<1000000x64xf32, #tpu.memory_space<hbm>>) dst(%arg7 : memref<800x64xf32, #tpu.memory_space<vmem>>)
    %dma_wait3A_149 = arith.constant 0 : i32
    %dma_wait3A_150 = tpu.memref_slice %arg4[%mul3A_2, %dma_wait3A_149] : memref<204800x64xf32, #tpu.memory_space<hbm>> -> memref<800x64xf32, #tpu.memory_space<hbm>>
    %dma_wait3A_151 = arith.constant 0 : i32
    %dma_wait3A_152 = tpu.memref_slice %arg4[%mul3A_2, %dma_wait3A_151] : memref<204800x64xf32, #tpu.memory_space<hbm>> -> memref<800x64xf32, #tpu.memory_space<hbm>>
    tpu.wait_dma2 semaphore(%arg11 : memref<!tpu.dma_semaphore, #tpu.memory_space<semaphore_mem>>) src(%arg7 : memref<800x64xf32, #tpu.memory_space<vmem>>) dst(%dma_wait3A_152 : memref<800x64xf32, #tpu.memory_space<hbm>>)
    %scan3A_153 = arith.constant 0 : i32
    %scan3A_154 = arith.constant 0 : i32
    %scan3A_155 = arith.constant 800 : i32
    %scan3A_156 = arith.addi %scan3A_154, %scan3A_155 : i32
    %scan3A_157 = arith.constant 1 : i32
    scf.for %scan3A_192 = %scan3A_154 to %scan3A_156 step %scan3A_157  : i32 {
      %get3A = arith.index_cast %scan3A_192 : i32 to index
      %get3A_193 = arith.constant 0 : index
      %get3A_194 = tpu.vector_load %arg7[%get3A, %get3A_193] {strides = array<i32>} : memref<800x64xf32, #tpu.memory_space<vmem>>, vector<1x16xf32>,
      %get3A_195 = vector.shape_cast %get3A_194 : vector<1x16xf32> to vector<16xf32>
      %mul3A_196 = arith.constant 8.000000e+00 : f32
      %mul3A_197 = vector.broadcast %mul3A_196 : f32 to vector<16xf32>
      %mul3A_198 = arith.mulf %get3A_195, %mul3A_197 : vector<16xf32>
      %swap3A = arith.index_cast %scan3A_192 : i32 to index
      %swap3A_199 = arith.constant 0 : index
      %swap3A_200 = tpu.vector_load %arg7[%swap3A, %swap3A_199] {strides = array<i32>} : memref<800x64xf32, #tpu.memory_space<vmem>>, vector<1x16xf32>,
      %swap3A_201 = vector.shape_cast %swap3A_200 : vector<1x16xf32> to vector<16xf32>
      %swap3A_202 = vector.shape_cast %mul3A_198 : vector<16xf32> to vector<1x16xf32>
      tpu.vector_store %arg7[%swap3A, %swap3A_199], %swap3A_202 {strides = array<i32>} : memref<800x64xf32, #tpu.memory_space<vmem>>, vector<1x16xf32>,
      %get3A_203 = arith.index_cast %scan3A_192 : i32 to index
      %get3A_204 = arith.constant 16 : index
      %get3A_205 = tpu.vector_load %arg7[%get3A_203, %get3A_204] {strides = array<i32>} : memref<800x64xf32, #tpu.memory_space<vmem>>, vector<1x16xf32>,
      %get3A_206 = vector.shape_cast %get3A_205 : vector<1x16xf32> to vector<16xf32>
      %mul3A_207 = arith.constant 8.000000e+00 : f32
      %mul3A_208 = vector.broadcast %mul3A_207 : f32 to vector<16xf32>
      %mul3A_209 = arith.mulf %get3A_206, %mul3A_208 : vector<16xf32>
      %swap3A_210 = arith.index_cast %scan3A_192 : i32 to index
      %swap3A_211 = arith.constant 16 : index
      %swap3A_212 = tpu.vector_load %arg7[%swap3A_210, %swap3A_211] {strides = array<i32>} : memref<800x64xf32, #tpu.memory_space<vmem>>, vector<1x16xf32>,
      %swap3A_213 = vector.shape_cast %swap3A_212 : vector<1x16xf32> to vector<16xf32>
      %swap3A_214 = vector.shape_cast %mul3A_209 : vector<16xf32> to vector<1x16xf32>
      tpu.vector_store %arg7[%swap3A_210, %swap3A_211], %swap3A_214 {strides = array<i32>} : memref<800x64xf32, #tpu.memory_space<vmem>>, vector<1x16xf32>,
      %get3A_215 = arith.index_cast %scan3A_192 : i32 to index
      %get3A_216 = arith.constant 32 : index
      %get3A_217 = tpu.vector_load %arg7[%get3A_215, %get3A_216] {strides = array<i32>} : memref<800x64xf32, #tpu.memory_space<vmem>>, vector<1x16xf32>,
      %get3A_218 = vector.shape_cast %get3A_217 : vector<1x16xf32> to vector<16xf32>
      %mul3A_219 = arith.constant 8.000000e+00 : f32
      %mul3A_220 = vector.broadcast %mul3A_219 : f32 to vector<16xf32>
      %mul3A_221 = arith.mulf %get3A_218, %mul3A_220 : vector<16xf32>
      %swap3A_222 = arith.index_cast %scan3A_192 : i32 to index
      %swap3A_223 = arith.constant 32 : index
      %swap3A_224 = tpu.vector_load %arg7[%swap3A_222, %swap3A_223] {strides = array<i32>} : memref<800x64xf32, #tpu.memory_space<vmem>>, vector<1x16xf32>,
      %swap3A_225 = vector.shape_cast %swap3A_224 : vector<1x16xf32> to vector<16xf32>
      %swap3A_226 = vector.shape_cast %mul3A_221 : vector<16xf32> to vector<1x16xf32>
      tpu.vector_store %arg7[%swap3A_222, %swap3A_223], %swap3A_226 {strides = array<i32>} : memref<800x64xf32, #tpu.memory_space<vmem>>, vector<1x16xf32>,
      %get3A_227 = arith.index_cast %scan3A_192 : i32 to index
      %get3A_228 = arith.constant 48 : index
      %get3A_229 = tpu.vector_load %arg7[%get3A_227, %get3A_228] {strides = array<i32>} : memref<800x64xf32, #tpu.memory_space<vmem>>, vector<1x16xf32>,
      %get3A_230 = vector.shape_cast %get3A_229 : vector<1x16xf32> to vector<16xf32>
      %mul3A_231 = arith.constant 8.000000e+00 : f32
      %mul3A_232 = vector.broadcast %mul3A_231 : f32 to vector<16xf32>
      %mul3A_233 = arith.mulf %get3A_230, %mul3A_232 : vector<16xf32>
      %swap3A_234 = arith.index_cast %scan3A_192 : i32 to index
      %swap3A_235 = arith.constant 48 : index
      %swap3A_236 = tpu.vector_load %arg7[%swap3A_234, %swap3A_235] {strides = array<i32>} : memref<800x64xf32, #tpu.memory_space<vmem>>, vector<1x16xf32>,
      %swap3A_237 = vector.shape_cast %swap3A_236 : vector<1x16xf32> to vector<16xf32>
      %swap3A_238 = vector.shape_cast %mul3A_233 : vector<16xf32> to vector<1x16xf32>
      tpu.vector_store %arg7[%swap3A_234, %swap3A_235], %swap3A_238 {strides = array<i32>} : memref<800x64xf32, #tpu.memory_space<vmem>>, vector<1x16xf32>,
    }
    %scan3A_158 = arith.constant 800 : i32
    %add3A_159 = arith.constant 4800 : i32
    %add3A_160 = arith.addi %mul3A_2, %add3A_159 : i32
    %dma_start3A_161 = arith.constant 0 : i32
    %dma_start3A_162 = tpu.memref_slice %arg4[%add3A_160, %dma_start3A_161] : memref<204800x64xf32, #tpu.memory_space<hbm>> -> memref<800x64xf32, #tpu.memory_space<hbm>>
    %dma_start3A_163 = arith.constant 0 : i32
    %dma_start3A_164 = tpu.memref_slice %arg4[%add3A_160, %dma_start3A_163] : memref<204800x64xf32, #tpu.memory_space<hbm>> -> memref<800x64xf32, #tpu.memory_space<hbm>>
    tpu.enqueue_dma source(%arg7 : memref<800x64xf32, #tpu.memory_space<vmem>>) target(%dma_start3A_164 : memref<800x64xf32, #tpu.memory_space<hbm>>) target_semaphore(%arg11 : memref<!tpu.dma_semaphore, #tpu.memory_space<semaphore_mem>>)
    %dma_wait3A_165 = arith.constant 0 : i32
    %dma_wait3A_166 = arith.constant 0 : i32
    %dma_wait3A_167 = tpu.memref_slice %arg3[%dma_wait3A_165, %dma_wait3A_166] : memref<1000000x64xf32, #tpu.memory_space<hbm>> -> memref<1000000x64xf32, #tpu.memory_space<hbm>>
    tpu.wait_indirect_dma semaphore(%arg10 : memref<!tpu.dma_semaphore, #tpu.memory_space<semaphore_mem>>) src(%dma_wait3A_167 : memref<1000000x64xf32, #tpu.memory_space<hbm>>) dst(%arg8 : memref<800x64xf32, #tpu.memory_space<vmem>>)
    %dma_wait3A_168 = arith.constant 0 : i32
    %dma_wait3A_169 = tpu.memref_slice %arg4[%mul3A_2, %dma_wait3A_168] : memref<204800x64xf32, #tpu.memory_space<hbm>> -> memref<800x64xf32, #tpu.memory_space<hbm>>
    %dma_wait3A_170 = arith.constant 0 : i32
    %dma_wait3A_171 = tpu.memref_slice %arg4[%mul3A_2, %dma_wait3A_170] : memref<204800x64xf32, #tpu.memory_space<hbm>> -> memref<800x64xf32, #tpu.memory_space<hbm>>
    tpu.wait_dma2 semaphore(%arg11 : memref<!tpu.dma_semaphore, #tpu.memory_space<semaphore_mem>>) src(%arg8 : memref<800x64xf32, #tpu.memory_space<vmem>>) dst(%dma_wait3A_171 : memref<800x64xf32, #tpu.memory_space<hbm>>)
    %scan3A_172 = arith.constant 0 : i32
    %scan3A_173 = arith.constant 0 : i32
    %scan3A_174 = arith.constant 800 : i32
    %scan3A_175 = arith.addi %scan3A_173, %scan3A_174 : i32
    %scan3A_176 = arith.constant 1 : i32
    scf.for %scan3A_192 = %scan3A_173 to %scan3A_175 step %scan3A_176  : i32 {
      %get3A = arith.index_cast %scan3A_192 : i32 to index
      %get3A_193 = arith.constant 0 : index
      %get3A_194 = tpu.vector_load %arg8[%get3A, %get3A_193] {strides = array<i32>} : memref<800x64xf32, #tpu.memory_space<vmem>>, vector<1x16xf32>,
      %get3A_195 = vector.shape_cast %get3A_194 : vector<1x16xf32> to vector<16xf32>
      %mul3A_196 = arith.constant 8.000000e+00 : f32
      %mul3A_197 = vector.broadcast %mul3A_196 : f32 to vector<16xf32>
      %mul3A_198 = arith.mulf %get3A_195, %mul3A_197 : vector<16xf32>
      %swap3A = arith.index_cast %scan3A_192 : i32 to index
      %swap3A_199 = arith.constant 0 : index
      %swap3A_200 = tpu.vector_load %arg8[%swap3A, %swap3A_199] {strides = array<i32>} : memref<800x64xf32, #tpu.memory_space<vmem>>, vector<1x16xf32>,
      %swap3A_201 = vector.shape_cast %swap3A_200 : vector<1x16xf32> to vector<16xf32>
      %swap3A_202 = vector.shape_cast %mul3A_198 : vector<16xf32> to vector<1x16xf32>
      tpu.vector_store %arg8[%swap3A, %swap3A_199], %swap3A_202 {strides = array<i32>} : memref<800x64xf32, #tpu.memory_space<vmem>>, vector<1x16xf32>,
      %get3A_203 = arith.index_cast %scan3A_192 : i32 to index
      %get3A_204 = arith.constant 16 : index
      %get3A_205 = tpu.vector_load %arg8[%get3A_203, %get3A_204] {strides = array<i32>} : memref<800x64xf32, #tpu.memory_space<vmem>>, vector<1x16xf32>,
      %get3A_206 = vector.shape_cast %get3A_205 : vector<1x16xf32> to vector<16xf32>
      %mul3A_207 = arith.constant 8.000000e+00 : f32
      %mul3A_208 = vector.broadcast %mul3A_207 : f32 to vector<16xf32>
      %mul3A_209 = arith.mulf %get3A_206, %mul3A_208 : vector<16xf32>
      %swap3A_210 = arith.index_cast %scan3A_192 : i32 to index
      %swap3A_211 = arith.constant 16 : index
      %swap3A_212 = tpu.vector_load %arg8[%swap3A_210, %swap3A_211] {strides = array<i32>} : memref<800x64xf32, #tpu.memory_space<vmem>>, vector<1x16xf32>,
      %swap3A_213 = vector.shape_cast %swap3A_212 : vector<1x16xf32> to vector<16xf32>
      %swap3A_214 = vector.shape_cast %mul3A_209 : vector<16xf32> to vector<1x16xf32>
      tpu.vector_store %arg8[%swap3A_210, %swap3A_211], %swap3A_214 {strides = array<i32>} : memref<800x64xf32, #tpu.memory_space<vmem>>, vector<1x16xf32>,
      %get3A_215 = arith.index_cast %scan3A_192 : i32 to index
      %get3A_216 = arith.constant 32 : index
      %get3A_217 = tpu.vector_load %arg8[%get3A_215, %get3A_216] {strides = array<i32>} : memref<800x64xf32, #tpu.memory_space<vmem>>, vector<1x16xf32>,
      %get3A_218 = vector.shape_cast %get3A_217 : vector<1x16xf32> to vector<16xf32>
      %mul3A_219 = arith.constant 8.000000e+00 : f32
      %mul3A_220 = vector.broadcast %mul3A_219 : f32 to vector<16xf32>
      %mul3A_221 = arith.mulf %get3A_218, %mul3A_220 : vector<16xf32>
      %swap3A_222 = arith.index_cast %scan3A_192 : i32 to index
      %swap3A_223 = arith.constant 32 : index
      %swap3A_224 = tpu.vector_load %arg8[%swap3A_222, %swap3A_223] {strides = array<i32>} : memref<800x64xf32, #tpu.memory_space<vmem>>, vector<1x16xf32>,
      %swap3A_225 = vector.shape_cast %swap3A_224 : vector<1x16xf32> to vector<16xf32>
      %swap3A_226 = vector.shape_cast %mul3A_221 : vector<16xf32> to vector<1x16xf32>
      tpu.vector_store %arg8[%swap3A_222, %swap3A_223], %swap3A_226 {strides = array<i32>} : memref<800x64xf32, #tpu.memory_space<vmem>>, vector<1x16xf32>,
      %get3A_227 = arith.index_cast %scan3A_192 : i32 to index
      %get3A_228 = arith.constant 48 : index
      %get3A_229 = tpu.vector_load %arg8[%get3A_227, %get3A_228] {strides = array<i32>} : memref<800x64xf32, #tpu.memory_space<vmem>>, vector<1x16xf32>,
      %get3A_230 = vector.shape_cast %get3A_229 : vector<1x16xf32> to vector<16xf32>
      %mul3A_231 = arith.constant 8.000000e+00 : f32
      %mul3A_232 = vector.broadcast %mul3A_231 : f32 to vector<16xf32>
      %mul3A_233 = arith.mulf %get3A_230, %mul3A_232 : vector<16xf32>
      %swap3A_234 = arith.index_cast %scan3A_192 : i32 to index
      %swap3A_235 = arith.constant 48 : index
      %swap3A_236 = tpu.vector_load %arg8[%swap3A_234, %swap3A_235] {strides = array<i32>} : memref<800x64xf32, #tpu.memory_space<vmem>>, vector<1x16xf32>,
      %swap3A_237 = vector.shape_cast %swap3A_236 : vector<1x16xf32> to vector<16xf32>
      %swap3A_238 = vector.shape_cast %mul3A_233 : vector<16xf32> to vector<1x16xf32>
      tpu.vector_store %arg8[%swap3A_234, %swap3A_235], %swap3A_238 {strides = array<i32>} : memref<800x64xf32, #tpu.memory_space<vmem>>, vector<1x16xf32>,
    }
    %scan3A_177 = arith.constant 800 : i32
    %add3A_178 = arith.constant 5600 : i32
    %add3A_179 = arith.addi %mul3A_2, %add3A_178 : i32
    %dma_start3A_180 = arith.constant 0 : i32
    %dma_start3A_181 = tpu.memref_slice %arg4[%add3A_179, %dma_start3A_180] : memref<204800x64xf32, #tpu.memory_space<hbm>> -> memref<800x64xf32, #tpu.memory_space<hbm>>
    %dma_start3A_182 = arith.constant 0 : i32
    %dma_start3A_183 = tpu.memref_slice %arg4[%add3A_179, %dma_start3A_182] : memref<204800x64xf32, #tpu.memory_space<hbm>> -> memref<800x64xf32, #tpu.memory_space<hbm>>
    tpu.enqueue_dma source(%arg8 : memref<800x64xf32, #tpu.memory_space<vmem>>) target(%dma_start3A_183 : memref<800x64xf32, #tpu.memory_space<hbm>>) target_semaphore(%arg11 : memref<!tpu.dma_semaphore, #tpu.memory_space<semaphore_mem>>)
    %dma_wait3A_184 = arith.constant 0 : i32
    %dma_wait3A_185 = tpu.memref_slice %arg4[%mul3A_2, %dma_wait3A_184] : memref<204800x64xf32, #tpu.memory_space<hbm>> -> memref<800x64xf32, #tpu.memory_space<hbm>>
    %dma_wait3A_186 = arith.constant 0 : i32
    %dma_wait3A_187 = tpu.memref_slice %arg4[%mul3A_2, %dma_wait3A_186] : memref<204800x64xf32, #tpu.memory_space<hbm>> -> memref<800x64xf32, #tpu.memory_space<hbm>>
    tpu.wait_dma2 semaphore(%arg11 : memref<!tpu.dma_semaphore, #tpu.memory_space<semaphore_mem>>) src(%arg7 : memref<800x64xf32, #tpu.memory_space<vmem>>) dst(%dma_wait3A_187 : memref<800x64xf32, #tpu.memory_space<hbm>>)
    %dma_wait3A_188 = arith.constant 0 : i32
    %dma_wait3A_189 = tpu.memref_slice %arg4[%mul3A_2, %dma_wait3A_188] : memref<204800x64xf32, #tpu.memory_space<hbm>> -> memref<800x64xf32, #tpu.memory_space<hbm>>
    %dma_wait3A_190 = arith.constant 0 : i32
    %dma_wait3A_191 = tpu.memref_slice %arg4[%mul3A_2, %dma_wait3A_190] : memref<204800x64xf32, #tpu.memory_space<hbm>> -> memref<800x64xf32, #tpu.memory_space<hbm>>
    tpu.wait_dma2 semaphore(%arg11 : memref<!tpu.dma_semaphore, #tpu.memory_space<semaphore_mem>>) src(%arg8 : memref<800x64xf32, #tpu.memory_space<vmem>>) dst(%dma_wait3A_191 : memref<800x64xf32, #tpu.memory_space<hbm>>)
    return
  }
}

</mosaic_0001>

<sc_bundles>
// kernel: kernel.3.cloned.1.call-start
scs
__scs_entry_jumppad:
0x0: {  	(pc) =	sbr.rel $0x88, $3  }
0x1: {  	(tag) =	ssettag $0x0;
	lr =	simm.s32 $0x1  }
0x2: {  	[smem:$0x3F9F] =	sst lr;
	_ =	strace $0xD0000000  }
0x3: {  	_ = 	snop  }
0x4: {  	_ = 	snop  }
0x5: {  	_ = 	snop  }
0x6: {  	_ = 	snop  }
0x7: {  	_ = 	snop  }
__scs_overlays_trampoline_lowered:
0x8: {  	[smem:$0x3FAE] =	sst s0  }
0x9: {  	[smem:$0x3FAF] =	sst s1  }
0xa: {  	[smem:$0x3FB0] =	sst s2  }
0xb: {  	[smem:$0x3FB1] =	sst s3  }
0xc: {  	[smem:$0x3FB2] =	sst s4  }
0xd: {  	[smem:$0x3FB3] =	sst s5  }
0xe: {  	[smem:$0x3FB4] =	sst s6  }
0xf: {  	[smem:$0x3FB5] =	sst s7  }
0x10: {  	[smem:$0x3FB6] =	sst s8  }
0x11: {  	[smem:$0x3FB7] =	sst s9;
	s0 =	simm.s32 @!p0 $0x0  }
0x12: {  	s1 =	sld [smem:$0x3F9D];
	s0 =	simm.s32 @p0 $0x1  }
0x13: {  	[smem:$0x3FB8] =	sst s0;
	s0 =	simm.s32 @!p1 $0x0  }
0x14: {  	s2 =	sld [smem:$0x3F9C];
	s0 =	simm.s32 @p1 $0x1  }
0x15: {  	[smem:$0x3FB9] =	sst s0;
	s0 =	simm.s32 @!p2 $0x0  }
0x16: {  	s3 =	sld [smem:$0x3FDB];
	s0 =	simm.s32 @p2 $0x1  }
0x17: {  	s4 =	simm.s32 $0x1BF5;
	[smem:$0x3FBB] =	sst s0  }
0x18: {  	s0 =	sld [smem:$0x3F9E];
	_ =	swait.ge [sflag:s4], $0x0  }
0x19: {  	s7 =	sld [smem:$0x3F9F]  }
0x1a: {  	s8 =	sadd.s32 $0xFFFFE003, lr  }
0x1b: {  	s9 =	sadd.s32 $0xFFFFFEF7, lr;
	s5 =	simm.s32 $0xFFFFFFFF;
	p2 =	slt.u32 s8, $0xFFFFF086  }
0x1c: {  	p1 =	slt.u32 s9, $0xF7A;
	s5 =	simm.s32 @!p2 $0x0  }
0x1d: {  	s5 =	simm.s32 @p1 $0x1;
	p0 =	seq.s32 s7, s2  }
0x1e: {  	s7 =	smul.u32 @!p0 $0xF7A, s2;
	p2 =	seq.s32 @!p0 s5, $0x0  }
0x1f: {  	s9 =	smul.u32 $0xF7A, s1;
	s8 =	simm.s32 @!p0 $0x1BF5;
	p2 =	por !p2, p0  }
0x20: {  	[sflag:s8] =	ssyncset.s32 @!p0 $0xFFFFF086;
	s6 =	sadd.s32 @!p0 s3, s7;
	s7 =	simm.s32 @!p0 $0x108  }
0x21: {  	s3 =	sadd.s32 s3, s9;
	s6 =	sadd.s32 @!p0 $0x88, s6;
	s7 =	simm.s32 @p2 $0x1082  }
0x22: {  	[simem:s7], [sflag:s8] =	dma.local @!p0 [hbm:s6], $0xF7A  }
0x23: {  	s9 =	sor.u32 $0xD0000000, s2;
	s6 =	simm.s32 $0x108;
	_ =	swait.ge @!p0 [sflag:s8], $0x0  }
0x24: {  	s3 =	sadd.s32 $0x88, s3;
	s6 =	simm.s32 @!p1 $0x1082;
	[sflag:s4] =	ssyncset.s32 $0xFFFFF086  }
0x25: {  	[simem:s6], [sflag:s4] =	dma.local [hbm:s3], $0xF7A  }
0x26: {  	[smem:$0x3F9F] =	sst s1;
	(tag) =	ssettag s2;
	_ =	strace s9  }
0x27: {  	s1 =	sld [smem:$0x3FAF]  }
0x28: {  	s2 =	sld [smem:$0x3FB0]  }
0x29: {  	s4 =	sld [smem:$0x3FB2]  }
0x2a: {  	p0 =	seq.s32 s5, $0x0;
	s5 =	sld [smem:$0x3FB3]  }
0x2b: {  	s6 =	sld [smem:$0x3FB4]  }
0x2c: {  	s7 =	sld [smem:$0x3FB5]  }
0x2d: {  	s3 =	simm.s32 $0x108;
	s8 =	sld [smem:$0x3FB6]  }
0x2e: {  	s3 =	simm.s32 @!p0 $0x1082;
	s9 =	sld [smem:$0x3FB7]  }
0x2f: {  	lr =	sadd.s32 s0, s3;
	s0 =	sld [smem:$0x3FAE]  }
0x30: {  	s3 =	sld [smem:$0x3FB1]  }
0x31: {  	[smem:$0x3FBA] =	sst s10  }
0x32: {  	s10 =	sld [smem:$0x3FB8];
	_ =	sdelay $0x3  }
0x33: {  	p0 =	seq.s32 s10, $0x1;
	s10 =	sld [smem:$0x3FBA];
	_ =	sdelay $0x3  }
0x34: {  	[smem:$0x3FBA] =	sst s10  }
0x35: {  	s10 =	sld [smem:$0x3FB9];
	_ =	sdelay $0x3  }
0x36: {  	p1 =	seq.s32 s10, $0x1;
	s10 =	sld [smem:$0x3FBA];
	_ =	sdelay $0x3  }
0x37: {  	[smem:$0x3FBA] =	sst s10  }
0x38: {  	s10 =	sld [smem:$0x3FBB]  }
0x39: {  	_ = 	snop;
	(pc) =	sbr.ind lr, $3  }
0x3a: {  	_ = 	snop  }
0x3b: {  	_ = 	snop  }
0x3c: {  	p2 =	seq.s32 s10, $0x1;
	s10 =	sld [smem:$0x3FBA]  }
0x3d: {  	_ =	shalt  }
0x3e: {  	_ =	shalt  }
0x3f: {  	_ =	shalt  }
0x40: {  	_ =	shalt  }
0x41: {  	_ =	shalt  }
0x42: {  	_ =	shalt  }
0x43: {  	_ =	shalt  }
0x44: {  	_ =	shalt  }
0x45: {  	_ =	shalt  }
0x46: {  	_ =	shalt  }
0x47: {  	_ =	shalt  }
0x48: {  	_ =	shalt  }
0x49: {  	_ =	shalt  }
0x4a: {  	_ =	shalt  }
0x4b: {  	_ =	shalt  }
0x4c: {  	_ =	shalt  }
0x4d: {  	_ =	shalt  }
0x4e: {  	_ =	shalt  }
0x4f: {  	_ =	shalt  }
0x50: {  	_ =	shalt  }
0x51: {  	_ =	shalt  }
0x52: {  	_ =	shalt  }
0x53: {  	_ =	shalt  }
0x54: {  	_ =	shalt  }
0x55: {  	_ =	shalt  }
0x56: {  	_ =	shalt  }
0x57: {  	_ =	shalt  }
0x58: {  	_ =	shalt  }
0x59: {  	_ =	shalt  }
0x5a: {  	_ =	shalt  }
0x5b: {  	_ =	shalt  }
0x5c: {  	_ =	shalt  }
0x5d: {  	_ =	shalt  }
0x5e: {  	_ =	shalt  }
0x5f: {  	_ =	shalt  }
0x60: {  	_ =	shalt  }
0x61: {  	_ =	shalt  }
0x62: {  	_ =	shalt  }
0x63: {  	_ =	shalt  }
0x64: {  	_ =	shalt  }
0x65: {  	_ =	shalt  }
0x66: {  	_ =	shalt  }
0x67: {  	_ =	shalt  }
0x68: {  	_ =	shalt  }
0x69: {  	_ =	shalt  }
0x6a: {  	_ =	shalt  }
0x6b: {  	_ =	shalt  }
0x6c: {  	_ =	shalt  }
0x6d: {  	_ =	shalt  }
0x6e: {  	_ =	shalt  }
0x6f: {  	_ =	shalt  }
0x70: {  	_ =	shalt  }
0x71: {  	_ =	shalt  }
0x72: {  	_ =	shalt  }
0x73: {  	_ =	shalt  }
0x74: {  	_ =	shalt  }
0x75: {  	_ =	shalt  }
0x76: {  	_ =	shalt  }
0x77: {  	_ =	shalt  }
0x78: {  	_ =	shalt  }
0x79: {  	_ =	shalt  }
0x7a: {  	_ =	shalt  }
0x7b: {  	_ =	shalt  }
0x7c: {  	_ =	shalt  }
0x7d: {  	_ =	shalt  }
0x7e: {  	_ =	shalt  }
0x7f: {  	_ =	shalt  }
0x80: {  	_ =	shalt  }
0x81: {  	_ =	shalt  }
0x82: {  	_ =	shalt  }
0x83: {  	_ =	shalt  }
0x84: {  	_ =	shalt  }
0x85: {  	_ =	shalt  }
0x86: {  	_ =	shalt  }
0x87: {  	_ =	shalt  }
.Lfunc_end0:
.L_simem_size_0:
called_computation.1_lowered:
.L_overlay_start_0:
0x88: {  	s2 =	sld [smem:$0x3FD9]  }
0x89: {  	s3 =	sld [smem:$0x3FFE];
	_ =	sdelay $0x1  }
0x8a: {  	s1 =	srdreg.scid  }
0x8b: {  	s0 =	sand.u32 $0x1, s1  }
0x8c: {  	s17 =	sshll.u32 s0, $0xA;
	s2 =	sadd.s32 s3, s2  }
0x8d: {  	s2 =	sadd.s32 s2, s17  }
0x8e: {  	[smem:$0x3FC6] =	sst s2  }
0x8f: {  	_ = 	snop  }
0x90: {  	s2 =	sld [smem:$0x3FD0];
	(tm) =	ssettm $0x1  }
0x91: {  	s18 =	sld [smem:$0x3FFB];
	_ =	sdelay $0x3  }
0x92: {  	_ =	strace s18  }
0x93: {  	s3 =	sld [smem:$0x3FFC];
	_ =	sdelay $0x3  }
0x94: {  	_ =	strace s3  }
0x95: {  	s3 =	sld [smem:$0x3FFD];
	_ =	sdelay $0x3  }
0x96: {  	_ =	strace s3  }
0x97: {  	_ =	strace $0x8FFFFFFF  }
0x98: {  	s19 =	sld [smem:$0x3FDB];
	_ =	sdelay $0x1  }
0x99: {  	s4 =	simm.s32 $_scs_section_size  }
0x9a: {  	s5 =	simm.s32 $_size__tile_overlayer_lowered;
	s6 =	simm.s32 $_tile_overlayer_lowered  }
0x9b: {  	s22 =	simm.s32 $0x1BFF;
	s21 =	sshll.u32 s6, $0x1;
	s3 =	sadd.s32 s4, s19  }
0x9c: {  	s7 =	simm.s32 $0x0;
	s20 =	sshll.u32 s5, $0x1;
	s5 =	sadd.s32 s21, s3  }
0x9d: {  	[timem:s7], [sflag:s22] =	dma.local [hbm:s5], s20  }
0x9e: {  	_ =	swait.ge [sflag:s22], s20  }
0x9f: {  	s4 =	ssub.s32 $0x0, s20;
	[sflag:s22] =	ssyncset.done $0x0  }
0xa0: {  	[sflag:s22] =	ssyncadd.s32 s4;
	_ =	sdelay $0x1  }
0xa1: {  	s23 =	simm.s32 $0x1B8B  }
0xa2: {  	_ =	swait.ge [sflag:s23], $0x1  }
0xa3: {  	[sflag:s23] =	ssyncset.done $0x0  }
0xa4: {  	s25 =	simm.s32 $0x1B8E;
	s24 =	sld [smem:$0x3FFE];
	[sflag:s23] =	ssyncadd.s32 $0xFFFFFFFF  }
0xa5: {  	s26 =	simm.s32 $execute0_lowered;
	[smem:$0x3FD2] =	sst s25  }
0xa6: {  	s5 =	sshll.u32 s26, $0x1;
	_ =	strace $0x80000046;
	[dreg:$0x1] =	wrdreg $0xFFFFFFFF  }
0xa7: {  	s28 =	simm.s32 $_size_execute0_lowered;
	s3 =	sadd.s32 s3, s5;
	[dreg:$0x0] =	wrdreg $0x0  }
0xa8: {  	s5 =	sshll.u32 s28, $0x1;
	[dreg:$0x2] =	wrdreg s3  }
0xa9: {  	[dreg:$0x3] =	wrdreg s5  }
0xaa: {  	[dreg:$0x4] =	wrdreg $0xC0  }
0xab: {  	_ =	task [dreg:s7], $0x5FFFF  }
0xac: {  	[dreg:$0x1] =	wrdreg $0xFFFFFFFF  }
0xad: {  	[dreg:$0x0] =	wrdreg $0x60  }
0xae: {  	[dreg:$0x2] =	wrdreg s24  }
0xaf: {  	[dreg:$0x3] =	wrdreg s2  }
0xb0: {  	[dreg:$0x4] =	wrdreg $0x9  }
0xb1: {  	_ =	task.clear_ibuf [dreg:s7], $0x5FFFF;
	_ =	strace $0x90000046  }
0xb2: {  	s29 =	simm.s32 $0x9;
	_ =	strace $0x80000048  }
0xb3: {  	_ =	swait.ge [sflag:s29], $0x1  }
0xb4: {  	[sflag:s29] =	ssyncadd.s32 $0xFFFFFFFF  }
0xb5: {  	_ =	strace $0x90000048  }
0xb6: {  	_ =	sfence  }
0xb7: {  	s30 =	sld [smem:$0x0];
	_ =	sdelay $0x2  }
0xb8: {  	s31 =	sshll.u32 s1, $0xD;
	s1 =	sshrl.u32 s1, $0x2  }
0xb9: {  	s3 =	sand.u32 $0x4000, s31;
	s1 =	sadd.s32 s1, s30  }
0xba: {  	s0 =	sor.u32 s3, s0;
	s1 =	sshll.u32 s1, $0x11  }
0xbb: {  	s0 =	sor.u32 s1, s0  }
0xbc: {  	s0 =	sadd.s32 $0x8F2B, s0  }
0xbd: {  	[sflag:s0] =	ssyncadd.remote.s32 $0x1  }
0xbe: {  	_ =	sfence.sel $0xFFFF  }
0xbf: {  	[dreg:$0x0] =	wrdreg $0xFFFFFFFF;
	(pc) =	sbr.abs _section_cstart, $3  }
0xc0: {  	[dreg:$0x1] =	wrdreg $0xFFFFFFFF  }
0xc1: {  	_ =	task.clear_ibuf [dreg:s7], $0x2FFFF;
	_ =	strace $0x9FFFFFFF  }
0xc2: {  	(tm) =	ssettm $0x7FFFFFFF  }
0xc3: {  	_ =	shalt  }
tec
execute0_lowered:
.L_overlay_start_1:
0x0: {  	(tag) =	ssettag $0x1  }
0x1: {  	s3 =	rddreg [dreg:$0x0]  }
0x2: {  	s19 =	rddreg [dreg:$0x1]  }
0x3: {  	s4 =	srdreg.scid;
	s1 =	stileid.u32  }
0x4: {  	s2 =	simm.s32 $0x0;
	s28 =	simm.s32 $0x3;
	s29 =	simm.s32 $0x0  }
0x5: {  	s4 =	sand.u32 $0x1, s4;
	s5 =	sshll.u32 s1, $0x1;
	[smem:$0x7FF] =	sst s2  }
0x6: {  	s18 =	sadd.s32 $0xA00, s3;
	s6 =	ssub.s32 $0x2, s4;
	s4 =	sor.u32 s4, s5  }
0x7: {  	s3 =	sadd.s32 $0xF42E00, s3;
	s22 =	sshrl.u32 s6, $0x1;
	s17 =	smul.u32 $0x1900, s4  }
0x8: {  	_ =	strace $0x80000047;
	s24 =	smul.u32 $0xC800, s4;
	s20 =	ssub.s32 s6, s22  }
0x9: {  	s23 =	sshrl.u32 s17, $0x3;
	s8 =	sadd.s32 $0x320, s17;
	s9 =	sadd.s32 $0x640, s17  }
0xa: {  	s6 =	sadd.s32 s19, s24;
	s11 =	sadd.s32 $0x960, s17;
	s14 =	sadd.s32 $0xC80, s17  }
0xb: {  	s15 =	sadd.s32 $0xFA0, s17;
	s21 =	sadd.s32 $0x12C0, s17;
	s17 =	sadd.s32 $0x15E0, s17  }
0xc: {  	s20 =	smax.u32 s20, $0x1;
	s24 =	simm.s32 $0xCE40;
	s4 =	sadd.s32 s18, s23  }
0xd: {  	s25 =	sshrl.u32 s8, $0x3;
	s7 =	sshrl.u32 s9, $0x3;
	s8 =	sshll.u32 s8, $0x3  }
0xe: {  	s10 =	sshrl.u32 s11, $0x3;
	s12 =	sshll.u32 s9, $0x3;
	s26 =	sshrl.u32 s14, $0x3  }
0xf: {  	s13 =	sshll.u32 s11, $0x3;
	s30 =	sshrl.u32 s15, $0x3;
	s14 =	sshll.u32 s14, $0x3  }
0x10: {  	s16 =	sshrl.u32 s21, $0x3;
	s22 =	sshll.u32 s15, $0x3;
	s31 =	sshrl.u32 s17, $0x3  }
0x11: {  	s21 =	sshll.u32 s21, $0x3;
	s23 =	sshll.u32 s17, $0x3;
	s5 =	sadd.s32 s18, s25  }
0x12: {  	s7 =	sadd.s32 s18, s7;
	s8 =	sadd.s32 s19, s8;
	s9 =	sadd.s32 s18, s10  }
0x13: {  	s10 =	sadd.s32 s19, s12;
	s11 =	sadd.s32 s18, s26;
	s12 =	sadd.s32 s19, s13  }
0x14: {  	s13 =	sadd.s32 s18, s30;
	s14 =	sadd.s32 s19, s14;
	s15 =	sadd.s32 s18, s16  }
0x15: {  	s16 =	sadd.s32 s19, s22;
	s17 =	sadd.s32 s18, s31;
	s18 =	sadd.s32 s19, s21  }
0x16: {  	s19 =	sadd.s32 s19, s23;
	s21 =	simm.s32 $0x4;
	s22 =	simm.s32 $0x320  }
0x17: {  	s23 =	simm.s32 $0x640;
	s25 =	simm.s32 $0x1;
	s26 =	simm.s32 $0x2  }
.LBB2_1:
0x18: {  	[tilespmem:s2], [sflag:$0x4] =	stream.linear.gather [hbm4b:s4+s2], $0x320, $0x38;
	[tilespmem:$0x19640] =	vst v63  }
0x19: {  	_ =	swait.ge [sflag:s21], $0x320  }
0x1a: {  	[sflag:s21] =	ssyncset.done $0x0  }
0x1b: {  	[sflag:s21] =	ssyncadd.s32 $0xFFFFFCE0  }
0x1c: {  	[tilespmem:s23], [sflag:$0x1] =	stream.indirect.gather [hbm4b:s3+s22], $0x40, s2, s22, $0xb8;
	[tilespmem:$0x19640] =	vst v63  }
0x1d: {  	_ = 	snop  }
0x1e: {  	[tilespmem:s22], [sflag:$0x4] =	stream.linear.gather [hbm4b:s5+s2], $0x320, $0x38;
	[tilespmem:$0x19640] =	vst v63  }
0x1f: {  	_ =	swait.ge [sflag:s21], $0x320  }
0x20: {  	[sflag:s21] =	ssyncset.done $0x0  }
0x21: {  	[sflag:s21] =	ssyncadd.s32 $0xFFFFFCE0  }
0x22: {  	[tilespmem:s24], [sflag:$0x2] =	stream.indirect.gather [hbm4b:s3+s22], $0x40, s22, s22, $0xb8;
	[tilespmem:$0x19640] =	vst v63  }
0x23: {  	_ =	swait.ge [sflag:s25], $0xC800  }
0x24: {  	[sflag:s25] =	ssyncset.done $0x0  }
0x25: {  	s30 =	simm.s32 $0x0;
	[sflag:s25] =	ssyncadd.s32 $0xFFFF3800  }
0x26: {  	v0 =	vld [tilespmem:s30+$0x640]  }
0x27: {  	v2 =	vld [tilespmem:s30+$0x650]  }
0x28: {  	s31 =	simm.s32 $0x100;
	v1 =	vld [tilespmem:s30+$0x660]  }
.LBB2_2:
0x29: {  	p0 =	sne.s32 s31, $0x31F00;
	v3 =	vld [tilespmem:s30+$0x670];
	_ =	sdelay $0x1  }
0x2a: {  	v0 =	vmul.f32 $8.000000000e+00, v0  }
.Ltmp0:
0x2b: {  	v2 =	vmul.f32 $8.000000000e+00, v2;
	(pc) =	sbr.rel @p0 .LBB2_2-.Ltmp0, $4  }
0x2c: {  	s0 =	sshra.s32 s31, $0x2;
	[tilespmem:s30+$0x640] =	vst v0;
	v1 =	vmul.f32 $8.000000000e+00, v1  }
0x2d: {  	v0 =	vld [tilespmem:s0+$0x640];
	[tilespmem:s30+$0x650] =	vst v2;
	v3 =	vmul.f32 $8.000000000e+00, v3  }
0x2e: {  	v2 =	vld [tilespmem:s0+$0x650];
	[tilespmem:s30+$0x660] =	vst v1  }
0x2f: {  	s31 =	sadd.s32 $0x100, s31;
	v1 =	vld [tilespmem:s0+$0x660];
	[tilespmem:s30+$0x670] =	vst v3;
	s30 =	smov.u32 s0  }
0x30: {  	v3 =	vld [tilespmem:s30+$0x670];
	_ =	sdelay $0x1  }
0x31: {  	v0 =	vmul.f32 $8.000000000e+00, v0  }
0x32: {  	v2 =	vmul.f32 $8.000000000e+00, v2  }
0x33: {  	[tilespmem:s30+$0x640] =	vst v0;
	v0 =	vmul.f32 $8.000000000e+00, v1  }
0x34: {  	[tilespmem:s30+$0x650] =	vst v2;
	v1 =	vmul.f32 $8.000000000e+00, v3  }
0x35: {  	[tilespmem:s30+$0x660] =	vst v0  }
0x36: {  	s0 =	simm.s32 $0x0;
	[tilespmem:s30+$0x670] =	vst v1  }
0x37: {  	[hbm4b:s6+s0] =	stream.linear.scatter [tilespmem:s23], [sflag:$0x3], $0xC800, $0x38;
	[tilespmem:$0x19640] =	vst v63  }
0x38: {  	_ = 	snop  }
0x39: {  	[tilespmem:s0], [sflag:$0x4] =	stream.linear.gather [hbm4b:s7+s0], $0x320, $0x38;
	[tilespmem:$0x19640] =	vst v63  }
0x3a: {  	_ =	swait.ge [sflag:s21], $0x320  }
0x3b: {  	[sflag:s21] =	ssyncset.done $0x0  }
0x3c: {  	[sflag:s21] =	ssyncadd.s32 $0xFFFFFCE0  }
0x3d: {  	[tilespmem:s23], [sflag:$0x1] =	stream.indirect.gather [hbm4b:s3+s22], $0x40, s0, s22, $0xb8;
	[tilespmem:$0x19640] =	vst v63  }
0x3e: {  	_ =	swait.ge [sflag:s26], $0xC800  }
0x3f: {  	[sflag:s26] =	ssyncset.done $0x0  }
0x40: {  	s30 =	simm.s32 $0x0;
	[sflag:s26] =	ssyncadd.s32 $0xFFFF3800  }
0x41: {  	v0 =	vld [tilespmem:s30+$0xCE40]  }
0x42: {  	v2 =	vld [tilespmem:s30+$0xCE50]  }
0x43: {  	s31 =	simm.s32 $0x100;
	v1 =	vld [tilespmem:s30+$0xCE60]  }
.LBB2_4:
0x44: {  	p0 =	sne.s32 s31, $0x31F00;
	v3 =	vld [tilespmem:s30+$0xCE70];
	_ =	sdelay $0x1  }
0x45: {  	v0 =	vmul.f32 $8.000000000e+00, v0  }
.Ltmp1:
0x46: {  	v2 =	vmul.f32 $8.000000000e+00, v2;
	(pc) =	sbr.rel @p0 .LBB2_4-.Ltmp1, $4  }
0x47: {  	s0 =	sshra.s32 s31, $0x2;
	[tilespmem:s30+$0xCE40] =	vst v0;
	v1 =	vmul.f32 $8.000000000e+00, v1  }
0x48: {  	v0 =	vld [tilespmem:s0+$0xCE40];
	[tilespmem:s30+$0xCE50] =	vst v2;
	v3 =	vmul.f32 $8.000000000e+00, v3  }
0x49: {  	v2 =	vld [tilespmem:s0+$0xCE50];
	[tilespmem:s30+$0xCE60] =	vst v1  }
0x4a: {  	s31 =	sadd.s32 $0x100, s31;
	v1 =	vld [tilespmem:s0+$0xCE60];
	[tilespmem:s30+$0xCE70] =	vst v3;
	s30 =	smov.u32 s0  }
0x4b: {  	v3 =	vld [tilespmem:s30+$0xCE70];
	_ =	sdelay $0x1  }
0x4c: {  	v0 =	vmul.f32 $8.000000000e+00, v0  }
0x4d: {  	v2 =	vmul.f32 $8.000000000e+00, v2  }
0x4e: {  	[tilespmem:s30+$0xCE40] =	vst v0;
	v0 =	vmul.f32 $8.000000000e+00, v1  }
0x4f: {  	[tilespmem:s30+$0xCE50] =	vst v2;
	v1 =	vmul.f32 $8.000000000e+00, v3  }
0x50: {  	[tilespmem:s30+$0xCE60] =	vst v0  }
0x51: {  	s0 =	simm.s32 $0x0;
	[tilespmem:s30+$0xCE70] =	vst v1  }
0x52: {  	[hbm4b:s8+s0] =	stream.linear.scatter [tilespmem:s24], [sflag:$0x3], $0xC800, $0x38;
	[tilespmem:$0x19640] =	vst v63  }
0x53: {  	_ = 	snop  }
0x54: {  	[tilespmem:s22], [sflag:$0x4] =	stream.linear.gather [hbm4b:s9+s0], $0x320, $0x38;
	[tilespmem:$0x19640] =	vst v63  }
0x55: {  	_ =	swait.ge [sflag:s21], $0x320  }
0x56: {  	[sflag:s21] =	ssyncset.done $0x0  }
0x57: {  	[sflag:s21] =	ssyncadd.s32 $0xFFFFFCE0  }
0x58: {  	[tilespmem:s24], [sflag:$0x2] =	stream.indirect.gather [hbm4b:s3+s22], $0x40, s22, s22, $0xb8;
	[tilespmem:$0x19640] =	vst v63  }
0x59: {  	_ =	swait.ge [sflag:s25], $0xC800  }
0x5a: {  	[sflag:s25] =	ssyncset.done $0x0  }
0x5b: {  	[sflag:s25] =	ssyncadd.s32 $0xFFFF3800  }
0x5c: {  	_ =	swait.ge [sflag:s28], $0xC800  }
0x5d: {  	[sflag:s28] =	ssyncset.done $0x0  }
0x5e: {  	s30 =	simm.s32 $0x0;
	[sflag:s28] =	ssyncadd.s32 $0xFFFF3800  }
0x5f: {  	v0 =	vld [tilespmem:s30+$0x640]  }
0x60: {  	v2 =	vld [tilespmem:s30+$0x650]  }
0x61: {  	s31 =	simm.s32 $0x100;
	v1 =	vld [tilespmem:s30+$0x660]  }
.LBB2_6:
0x62: {  	p0 =	sne.s32 s31, $0x31F00;
	v3 =	vld [tilespmem:s30+$0x670];
	_ =	sdelay $0x1  }
0x63: {  	v0 =	vmul.f32 $8.000000000e+00, v0  }
.Ltmp2:
0x64: {  	v2 =	vmul.f32 $8.000000000e+00, v2;
	(pc) =	sbr.rel @p0 .LBB2_6-.Ltmp2, $4  }
0x65: {  	s0 =	sshra.s32 s31, $0x2;
	[tilespmem:s30+$0x640] =	vst v0;
	v1 =	vmul.f32 $8.000000000e+00, v1  }
0x66: {  	v0 =	vld [tilespmem:s0+$0x640];
	[tilespmem:s30+$0x650] =	vst v2;
	v3 =	vmul.f32 $8.000000000e+00, v3  }
0x67: {  	v2 =	vld [tilespmem:s0+$0x650];
	[tilespmem:s30+$0x660] =	vst v1  }
0x68: {  	s31 =	sadd.s32 $0x100, s31;
	v1 =	vld [tilespmem:s0+$0x660];
	[tilespmem:s30+$0x670] =	vst v3;
	s30 =	smov.u32 s0  }
0x69: {  	v3 =	vld [tilespmem:s30+$0x670];
	_ =	sdelay $0x1  }
0x6a: {  	v0 =	vmul.f32 $8.000000000e+00, v0  }
0x6b: {  	v2 =	vmul.f32 $8.000000000e+00, v2  }
0x6c: {  	[tilespmem:s30+$0x640] =	vst v0;
	v0 =	vmul.f32 $8.000000000e+00, v1  }
0x6d: {  	[tilespmem:s30+$0x650] =	vst v2;
	v1 =	vmul.f32 $8.000000000e+00, v3  }
0x6e: {  	[tilespmem:s30+$0x660] =	vst v0  }
0x6f: {  	s0 =	simm.s32 $0x0;
	[tilespmem:s30+$0x670] =	vst v1  }
0x70: {  	[hbm4b:s10+s0] =	stream.linear.scatter [tilespmem:s23], [sflag:$0x3], $0xC800, $0x38;
	[tilespmem:$0x19640] =	vst v63  }
0x71: {  	_ = 	snop  }
0x72: {  	[tilespmem:s0], [sflag:$0x4] =	stream.linear.gather [hbm4b:s11+s0], $0x320, $0x38;
	[tilespmem:$0x19640] =	vst v63  }
0x73: {  	_ =	swait.ge [sflag:s21], $0x320  }
0x74: {  	[sflag:s21] =	ssyncset.done $0x0  }
0x75: {  	[sflag:s21] =	ssyncadd.s32 $0xFFFFFCE0  }
0x76: {  	[tilespmem:s23], [sflag:$0x1] =	stream.indirect.gather [hbm4b:s3+s22], $0x40, s0, s22, $0xb8;
	[tilespmem:$0x19640] =	vst v63  }
0x77: {  	_ =	swait.ge [sflag:s26], $0xC800  }
0x78: {  	[sflag:s26] =	ssyncset.done $0x0  }
0x79: {  	[sflag:s26] =	ssyncadd.s32 $0xFFFF3800  }
0x7a: {  	_ =	swait.ge [sflag:s28], $0xC800  }
0x7b: {  	[sflag:s28] =	ssyncset.done $0x0  }
0x7c: {  	s30 =	simm.s32 $0x0;
	[sflag:s28] =	ssyncadd.s32 $0xFFFF3800  }
0x7d: {  	v0 =	vld [tilespmem:s30+$0xCE40]  }
0x7e: {  	v2 =	vld [tilespmem:s30+$0xCE50]  }
0x7f: {  	s31 =	simm.s32 $0x100;
	v1 =	vld [tilespmem:s30+$0xCE60]  }
.LBB2_8:
0x80: {  	p0 =	sne.s32 s31, $0x31F00;
	v3 =	vld [tilespmem:s30+$0xCE70];
	_ =	sdelay $0x1  }
0x81: {  	v0 =	vmul.f32 $8.000000000e+00, v0  }
.Ltmp3:
0x82: {  	v2 =	vmul.f32 $8.000000000e+00, v2;
	(pc) =	sbr.rel @p0 .LBB2_8-.Ltmp3, $4  }
0x83: {  	s0 =	sshra.s32 s31, $0x2;
	[tilespmem:s30+$0xCE40] =	vst v0;
	v1 =	vmul.f32 $8.000000000e+00, v1  }
0x84: {  	v0 =	vld [tilespmem:s0+$0xCE40];
	[tilespmem:s30+$0xCE50] =	vst v2;
	v3 =	vmul.f32 $8.000000000e+00, v3  }
0x85: {  	v2 =	vld [tilespmem:s0+$0xCE50];
	[tilespmem:s30+$0xCE60] =	vst v1  }
0x86: {  	s31 =	sadd.s32 $0x100, s31;
	v1 =	vld [tilespmem:s0+$0xCE60];
	[tilespmem:s30+$0xCE70] =	vst v3;
	s30 =	smov.u32 s0  }
0x87: {  	v3 =	vld [tilespmem:s30+$0xCE70];
	_ =	sdelay $0x1  }
0x88: {  	v0 =	vmul.f32 $8.000000000e+00, v0  }
0x89: {  	v2 =	vmul.f32 $8.000000000e+00, v2  }
0x8a: {  	[tilespmem:s30+$0xCE40] =	vst v0;
	v0 =	vmul.f32 $8.000000000e+00, v1  }
0x8b: {  	[tilespmem:s30+$0xCE50] =	vst v2;
	v1 =	vmul.f32 $8.000000000e+00, v3  }
0x8c: {  	[tilespmem:s30+$0xCE60] =	vst v0  }
0x8d: {  	s0 =	simm.s32 $0x0;
	[tilespmem:s30+$0xCE70] =	vst v1  }
0x8e: {  	[hbm4b:s12+s0] =	stream.linear.scatter [tilespmem:s24], [sflag:$0x3], $0xC800, $0x38;
	[tilespmem:$0x19640] =	vst v63  }
0x8f: {  	_ = 	snop  }
0x90: {  	[tilespmem:s22], [sflag:$0x4] =	stream.linear.gather [hbm4b:s13+s0], $0x320, $0x38;
	[tilespmem:$0x19640] =	vst v63  }
0x91: {  	_ =	swait.ge [sflag:s21], $0x320  }
0x92: {  	[sflag:s21] =	ssyncset.done $0x0  }
0x93: {  	[sflag:s21] =	ssyncadd.s32 $0xFFFFFCE0  }
0x94: {  	[tilespmem:s24], [sflag:$0x2] =	stream.indirect.gather [hbm4b:s3+s22], $0x40, s22, s22, $0xb8;
	[tilespmem:$0x19640] =	vst v63  }
0x95: {  	_ =	swait.ge [sflag:s25], $0xC800  }
0x96: {  	[sflag:s25] =	ssyncset.done $0x0  }
0x97: {  	[sflag:s25] =	ssyncadd.s32 $0xFFFF3800  }
0x98: {  	_ =	swait.ge [sflag:s28], $0xC800  }
0x99: {  	[sflag:s28] =	ssyncset.done $0x0  }
0x9a: {  	s30 =	simm.s32 $0x0;
	[sflag:s28] =	ssyncadd.s32 $0xFFFF3800  }
0x9b: {  	v0 =	vld [tilespmem:s30+$0x640]  }
0x9c: {  	v2 =	vld [tilespmem:s30+$0x650]  }
0x9d: {  	s31 =	simm.s32 $0x100;
	v1 =	vld [tilespmem:s30+$0x660]  }
.LBB2_10:
0x9e: {  	p0 =	sne.s32 s31, $0x31F00;
	v3 =	vld [tilespmem:s30+$0x670];
	_ =	sdelay $0x1  }
0x9f: {  	v0 =	vmul.f32 $8.000000000e+00, v0  }
.Ltmp4:
0xa0: {  	v2 =	vmul.f32 $8.000000000e+00, v2;
	(pc) =	sbr.rel @p0 .LBB2_10-.Ltmp4, $4  }
0xa1: {  	s0 =	sshra.s32 s31, $0x2;
	[tilespmem:s30+$0x640] =	vst v0;
	v1 =	vmul.f32 $8.000000000e+00, v1  }
0xa2: {  	v0 =	vld [tilespmem:s0+$0x640];
	[tilespmem:s30+$0x650] =	vst v2;
	v3 =	vmul.f32 $8.000000000e+00, v3  }
0xa3: {  	v2 =	vld [tilespmem:s0+$0x650];
	[tilespmem:s30+$0x660] =	vst v1  }
0xa4: {  	s31 =	sadd.s32 $0x100, s31;
	v1 =	vld [tilespmem:s0+$0x660];
	[tilespmem:s30+$0x670] =	vst v3;
	s30 =	smov.u32 s0  }
0xa5: {  	v3 =	vld [tilespmem:s30+$0x670];
	_ =	sdelay $0x1  }
0xa6: {  	v0 =	vmul.f32 $8.000000000e+00, v0  }
0xa7: {  	v2 =	vmul.f32 $8.000000000e+00, v2  }
0xa8: {  	[tilespmem:s30+$0x640] =	vst v0;
	v0 =	vmul.f32 $8.000000000e+00, v1  }
0xa9: {  	[tilespmem:s30+$0x650] =	vst v2;
	v1 =	vmul.f32 $8.000000000e+00, v3  }
0xaa: {  	[tilespmem:s30+$0x660] =	vst v0  }
0xab: {  	s0 =	simm.s32 $0x0;
	[tilespmem:s30+$0x670] =	vst v1  }
0xac: {  	[hbm4b:s14+s0] =	stream.linear.scatter [tilespmem:s23], [sflag:$0x3], $0xC800, $0x38;
	[tilespmem:$0x19640] =	vst v63  }
0xad: {  	_ = 	snop  }
0xae: {  	[tilespmem:s0], [sflag:$0x4] =	stream.linear.gather [hbm4b:s15+s0], $0x320, $0x38;
	[tilespmem:$0x19640] =	vst v63  }
0xaf: {  	_ =	swait.ge [sflag:s21], $0x320  }
0xb0: {  	[sflag:s21] =	ssyncset.done $0x0  }
0xb1: {  	[sflag:s21] =	ssyncadd.s32 $0xFFFFFCE0  }
0xb2: {  	[tilespmem:s23], [sflag:$0x1] =	stream.indirect.gather [hbm4b:s3+s22], $0x40, s0, s22, $0xb8;
	[tilespmem:$0x19640] =	vst v63  }
0xb3: {  	_ =	swait.ge [sflag:s26], $0xC800  }
0xb4: {  	[sflag:s26] =	ssyncset.done $0x0  }
0xb5: {  	[sflag:s26] =	ssyncadd.s32 $0xFFFF3800  }
0xb6: {  	_ =	swait.ge [sflag:s28], $0xC800  }
0xb7: {  	[sflag:s28] =	ssyncset.done $0x0  }
0xb8: {  	s30 =	simm.s32 $0x0;
	[sflag:s28] =	ssyncadd.s32 $0xFFFF3800  }
0xb9: {  	v0 =	vld [tilespmem:s30+$0xCE40]  }
0xba: {  	v2 =	vld [tilespmem:s30+$0xCE50]  }
0xbb: {  	s31 =	simm.s32 $0x100;
	v1 =	vld [tilespmem:s30+$0xCE60]  }
.LBB2_12:
0xbc: {  	p0 =	sne.s32 s31, $0x31F00;
	v3 =	vld [tilespmem:s30+$0xCE70];
	_ =	sdelay $0x1  }
0xbd: {  	v0 =	vmul.f32 $8.000000000e+00, v0  }
.Ltmp5:
0xbe: {  	v2 =	vmul.f32 $8.000000000e+00, v2;
	(pc) =	sbr.rel @p0 .LBB2_12-.Ltmp5, $4  }
0xbf: {  	s0 =	sshra.s32 s31, $0x2;
	[tilespmem:s30+$0xCE40] =	vst v0;
	v1 =	vmul.f32 $8.000000000e+00, v1  }
0xc0: {  	v0 =	vld [tilespmem:s0+$0xCE40];
	[tilespmem:s30+$0xCE50] =	vst v2;
	v3 =	vmul.f32 $8.000000000e+00, v3  }
0xc1: {  	v2 =	vld [tilespmem:s0+$0xCE50];
	[tilespmem:s30+$0xCE60] =	vst v1  }
0xc2: {  	s31 =	sadd.s32 $0x100, s31;
	v1 =	vld [tilespmem:s0+$0xCE60];
	[tilespmem:s30+$0xCE70] =	vst v3;
	s30 =	smov.u32 s0  }
0xc3: {  	v3 =	vld [tilespmem:s30+$0xCE70];
	_ =	sdelay $0x1  }
0xc4: {  	v0 =	vmul.f32 $8.000000000e+00, v0  }
0xc5: {  	v2 =	vmul.f32 $8.000000000e+00, v2  }
0xc6: {  	[tilespmem:s30+$0xCE40] =	vst v0;
	v0 =	vmul.f32 $8.000000000e+00, v1  }
0xc7: {  	[tilespmem:s30+$0xCE50] =	vst v2;
	v1 =	vmul.f32 $8.000000000e+00, v3  }
0xc8: {  	[tilespmem:s30+$0xCE60] =	vst v0  }
0xc9: {  	s0 =	simm.s32 $0x0;
	[tilespmem:s30+$0xCE70] =	vst v1  }
0xca: {  	[hbm4b:s16+s0] =	stream.linear.scatter [tilespmem:s24], [sflag:$0x3], $0xC800, $0x38;
	[tilespmem:$0x19640] =	vst v63  }
0xcb: {  	_ = 	snop  }
0xcc: {  	[tilespmem:s22], [sflag:$0x4] =	stream.linear.gather [hbm4b:s17+s0], $0x320, $0x38;
	[tilespmem:$0x19640] =	vst v63  }
0xcd: {  	_ =	swait.ge [sflag:s21], $0x320  }
0xce: {  	[sflag:s21] =	ssyncset.done $0x0  }
0xcf: {  	[sflag:s21] =	ssyncadd.s32 $0xFFFFFCE0  }
0xd0: {  	[tilespmem:s24], [sflag:$0x2] =	stream.indirect.gather [hbm4b:s3+s22], $0x40, s22, s22, $0xb8;
	[tilespmem:$0x19640] =	vst v63  }
0xd1: {  	_ =	swait.ge [sflag:s25], $0xC800  }
0xd2: {  	[sflag:s25] =	ssyncset.done $0x0  }
0xd3: {  	[sflag:s25] =	ssyncadd.s32 $0xFFFF3800  }
0xd4: {  	_ =	swait.ge [sflag:s28], $0xC800  }
0xd5: {  	[sflag:s28] =	ssyncset.done $0x0  }
0xd6: {  	s30 =	simm.s32 $0x0;
	[sflag:s28] =	ssyncadd.s32 $0xFFFF3800  }
0xd7: {  	v0 =	vld [tilespmem:s30+$0x640]  }
0xd8: {  	v2 =	vld [tilespmem:s30+$0x650]  }
0xd9: {  	s31 =	simm.s32 $0x100;
	v1 =	vld [tilespmem:s30+$0x660]  }
.LBB2_14:
0xda: {  	p0 =	sne.s32 s31, $0x31F00;
	v3 =	vld [tilespmem:s30+$0x670];
	_ =	sdelay $0x1  }
0xdb: {  	v0 =	vmul.f32 $8.000000000e+00, v0  }
.Ltmp6:
0xdc: {  	v2 =	vmul.f32 $8.000000000e+00, v2;
	(pc) =	sbr.rel @p0 .LBB2_14-.Ltmp6, $4  }
0xdd: {  	s0 =	sshra.s32 s31, $0x2;
	[tilespmem:s30+$0x640] =	vst v0;
	v1 =	vmul.f32 $8.000000000e+00, v1  }
0xde: {  	v0 =	vld [tilespmem:s0+$0x640];
	[tilespmem:s30+$0x650] =	vst v2;
	v3 =	vmul.f32 $8.000000000e+00, v3  }
0xdf: {  	v2 =	vld [tilespmem:s0+$0x650];
	[tilespmem:s30+$0x660] =	vst v1  }
0xe0: {  	s31 =	sadd.s32 $0x100, s31;
	v1 =	vld [tilespmem:s0+$0x660];
	[tilespmem:s30+$0x670] =	vst v3;
	s30 =	smov.u32 s0  }
0xe1: {  	v3 =	vld [tilespmem:s30+$0x670];
	_ =	sdelay $0x1  }
0xe2: {  	v0 =	vmul.f32 $8.000000000e+00, v0  }
0xe3: {  	v2 =	vmul.f32 $8.000000000e+00, v2  }
0xe4: {  	[tilespmem:s30+$0x640] =	vst v0;
	v0 =	vmul.f32 $8.000000000e+00, v1  }
0xe5: {  	[tilespmem:s30+$0x650] =	vst v2;
	v1 =	vmul.f32 $8.000000000e+00, v3  }
0xe6: {  	[tilespmem:s30+$0x660] =	vst v0  }
0xe7: {  	s0 =	simm.s32 $0x0;
	[tilespmem:s30+$0x670] =	vst v1  }
0xe8: {  	[hbm4b:s18+s0] =	stream.linear.scatter [tilespmem:s23], [sflag:$0x3], $0xC800, $0x38;
	[tilespmem:$0x19640] =	vst v63  }
0xe9: {  	_ =	swait.ge [sflag:s26], $0xC800  }
0xea: {  	[sflag:s26] =	ssyncset.done $0x0  }
0xeb: {  	[sflag:s26] =	ssyncadd.s32 $0xFFFF3800  }
0xec: {  	_ =	swait.ge [sflag:s28], $0xC800  }
0xed: {  	[sflag:s28] =	ssyncset.done $0x0  }
0xee: {  	s30 =	simm.s32 $0x0;
	[sflag:s28] =	ssyncadd.s32 $0xFFFF3800  }
0xef: {  	v0 =	vld [tilespmem:s30+$0xCE40]  }
0xf0: {  	v2 =	vld [tilespmem:s30+$0xCE50]  }
0xf1: {  	s31 =	simm.s32 $0x100;
	v1 =	vld [tilespmem:s30+$0xCE60]  }
.LBB2_16:
0xf2: {  	p0 =	sne.s32 s31, $0x31F00;
	v3 =	vld [tilespmem:s30+$0xCE70];
	_ =	sdelay $0x1  }
0xf3: {  	v0 =	vmul.f32 $8.000000000e+00, v0  }
.Ltmp7:
0xf4: {  	v2 =	vmul.f32 $8.000000000e+00, v2;
	(pc) =	sbr.rel @p0 .LBB2_16-.Ltmp7, $4  }
0xf5: {  	s0 =	sshra.s32 s31, $0x2;
	[tilespmem:s30+$0xCE40] =	vst v0;
	v1 =	vmul.f32 $8.000000000e+00, v1  }
0xf6: {  	v0 =	vld [tilespmem:s0+$0xCE40];
	[tilespmem:s30+$0xCE50] =	vst v2;
	v3 =	vmul.f32 $8.000000000e+00, v3  }
0xf7: {  	v2 =	vld [tilespmem:s0+$0xCE50];
	[tilespmem:s30+$0xCE60] =	vst v1  }
0xf8: {  	s31 =	sadd.s32 $0x100, s31;
	v1 =	vld [tilespmem:s0+$0xCE60];
	[tilespmem:s30+$0xCE70] =	vst v3;
	s30 =	smov.u32 s0  }
0xf9: {  	v3 =	vld [tilespmem:s30+$0xCE70];
	_ =	sdelay $0x1  }
0xfa: {  	v0 =	vmul.f32 $8.000000000e+00, v0  }
0xfb: {  	v2 =	vmul.f32 $8.000000000e+00, v2  }
0xfc: {  	[tilespmem:s30+$0xCE40] =	vst v0;
	v62 =	vmul.f32 $8.000000000e+00, v1  }
0xfd: {  	[tilespmem:s30+$0xCE50] =	vst v2;
	v63 =	vmul.f32 $8.000000000e+00, v3  }
0xfe: {  	[tilespmem:s30+$0xCE60] =	vst v62  }
0xff: {  	s29 =	sadd.s32 $0x1, s29;
	[tilespmem:s30+$0xCE70] =	vst v63  }
0x100: {  	[hbm4b:s19+s2] =	stream.linear.scatter [tilespmem:s24], [sflag:$0x3], $0xC800, $0x38;
	[tilespmem:$0x19640] =	vst v63  }
0x101: {  	p0 =	sne.s32 s29, s20;
	_ =	swait.ge [sflag:s28], $0xC800  }
.Ltmp8:
0x102: {  	[sflag:s28] =	ssyncset.done $0x0;
	(pc) =	sbr.rel @p0 .LBB2_1-.Ltmp8, $4  }
0x103: {  	[sflag:s28] =	ssyncadd.s32 $0xFFFF3800  }
0x104: {  	_ =	swait.ge [sflag:s28], $0xC800  }
0x105: {  	[sflag:s28] =	ssyncset.done $0x0  }
0x106: {  	[sflag:s28] =	ssyncadd.s32 $0xFFFF3800  }
0x107: {  	_ =	sfence.sel $0x180000  }
0x108: {  	[bflag:$0x0] =	sbarrier.arrive $0xFFFF  }
0x109: {  	_ =	strace $0x90000047  }
0x10a: {  	[bflag:$0x2] =	sbarrier.arrive $0xFFFF  }
0x10b: {  	p0 =	sne.s32 s1, $0x0;
	s0 =	rddreg [dreg:$0x2]  }
0x10c: {  	s0 =	sadd.s32 @!p0 $0x100000, s0  }
0x10d: {  	[sflag:s0] =	ssyncadd.tile.s32 @!p0 $0x1;
	_ =	shalt  }
.Lfunc_end2:
_tile_overlayer_lowered:
.L_overlay_start_2:
0x10e: {  	(tag) =	ssettag $0x2  }
0x10f: {  	s0 =	rddreg [dreg:$0x0];
	s2 =	stileid.u32  }
0x110: {  	s1 =	rddreg [dreg:$0x1];
	p0 =	sne.s32 s2, $0x0  }
0x111: {  	s3 =	rddreg [dreg:$0x2];
	[bflag:$0x3] =	sbarrier.arrive $0xFFFF;
	s2 =	simm.s32 @!p0 $0x1C04  }
0x112: {  	[timem:s3], [sflag:s2] =	dma.local @!p0 [hbm:s0], s1  }
0x113: {  	s0 =	simm.s32 @!p0 $0x4  }
0x114: {  	_ =	swait.ge @!p0 [sflag:s0], s1  }
0x115: {  	s1 =	ssub.s32 @!p0 $0x0, s1;
	[sflag:s0] =	ssyncset.done @!p0 $0x0  }
0x116: {  	[sflag:s0] =	ssyncadd.s32 @!p0 s1  }
0x117: {  	[bflag:$0x3] =	sbarrier.arrive $0xFFFF  }
0x118: {  	_ =	shalt  }

// kernel: sparse-core-data-format-call.cloned.1.call-start
scs
called_computation_lowered:
.L_overlay_start_0:
0x0: {  	s2 =	sld [smem:$0x3FD9]  }
0x1: {  	s3 =	sld [smem:$0x3FFE];
	_ =	sdelay $0x1  }
0x2: {  	s1 =	srdreg.scid  }
0x3: {  	s0 =	sand.u32 $0x1, s1  }
0x4: {  	s18 =	sshll.u32 s0, $0xA;
	s2 =	sadd.s32 s3, s2  }
0x5: {  	s2 =	sadd.s32 s2, s18  }
0x6: {  	[smem:$0x3FC6] =	sst s2  }
0x7: {  	_ = 	snop  }
0x8: {  	s2 =	sld [smem:$0x3FD0];
	(tm) =	ssettm $0x1  }
0x9: {  	s19 =	sld [smem:$0x3FFB];
	_ =	sdelay $0x3  }
0xa: {  	_ =	strace s19  }
0xb: {  	s3 =	sld [smem:$0x3FFC];
	_ =	sdelay $0x3  }
0xc: {  	_ =	strace s3  }
0xd: {  	s3 =	sld [smem:$0x3FFD];
	_ =	sdelay $0x3  }
0xe: {  	_ =	strace s3  }
0xf: {  	_ =	strace $0x8FFFFFFF  }
0x10: {  	s20 =	sld [smem:$0x3FDB];
	_ =	sdelay $0x1  }
0x11: {  	s4 =	simm.s32 $_scs_section_size  }
0x12: {  	s5 =	simm.s32 $_size__tile_overlayer_lowered;
	s6 =	simm.s32 $_tile_overlayer_lowered  }
0x13: {  	s23 =	simm.s32 $0x1BFF;
	s22 =	sshll.u32 s6, $0x1;
	s3 =	sadd.s32 s4, s20  }
0x14: {  	s7 =	simm.s32 $0x0;
	s21 =	sshll.u32 s5, $0x1;
	s5 =	sadd.s32 s22, s3  }
0x15: {  	[timem:s7], [sflag:s23] =	dma.local [hbm:s5], s21  }
0x16: {  	_ =	swait.ge [sflag:s23], s21  }
0x17: {  	s4 =	ssub.s32 $0x0, s21;
	[sflag:s23] =	ssyncset.done $0x0  }
0x18: {  	[sflag:s23] =	ssyncadd.s32 s4;
	_ =	sdelay $0x1  }
0x19: {  	s24 =	simm.s32 $0x1B8B  }
0x1a: {  	_ =	swait.ge [sflag:s24], $0x1  }
0x1b: {  	[sflag:s24] =	ssyncset.done $0x0  }
0x1c: {  	s26 =	simm.s32 $0x1B8E;
	s25 =	sld [smem:$0x3FFE];
	[sflag:s24] =	ssyncadd.s32 $0xFFFFFFFF  }
0x1d: {  	s27 =	simm.s32 $execute0_lowered;
	[smem:$0x3FD2] =	sst s26  }
0x1e: {  	s5 =	sshll.u32 s27, $0x1;
	_ =	strace $0x80000049;
	[dreg:$0x1] =	wrdreg $0xFFFFFFFF  }
0x1f: {  	s28 =	simm.s32 $_size_execute0_lowered;
	s3 =	sadd.s32 s3, s5;
	[dreg:$0x0] =	wrdreg $0x0  }
0x20: {  	s5 =	sshll.u32 s28, $0x1;
	[dreg:$0x2] =	wrdreg s3  }
0x21: {  	[dreg:$0x3] =	wrdreg s5  }
0x22: {  	[dreg:$0x4] =	wrdreg $0xC0  }
0x23: {  	_ =	task [dreg:s7], $0x5FFFF  }
0x24: {  	[dreg:$0x1] =	wrdreg $0xFFFFFFFF  }
0x25: {  	[dreg:$0x0] =	wrdreg $0x60  }
0x26: {  	[dreg:$0x2] =	wrdreg s25  }
0x27: {  	[dreg:$0x3] =	wrdreg s2  }
0x28: {  	[dreg:$0x4] =	wrdreg $0x9  }
0x29: {  	_ =	task.clear_ibuf [dreg:s7], $0x5FFFF;
	_ =	strace $0x90000049  }
0x2a: {  	s29 =	simm.s32 $0x9;
	_ =	strace $0x8000004B  }
0x2b: {  	_ =	swait.ge [sflag:s29], $0x1  }
0x2c: {  	[sflag:s29] =	ssyncadd.s32 $0xFFFFFFFF  }
0x2d: {  	_ =	strace $0x9000004B  }
0x2e: {  	_ =	sfence  }
0x2f: {  	s30 =	sld [smem:$0x0];
	_ =	sdelay $0x2  }
0x30: {  	s31 =	sshll.u32 s1, $0xD;
	s1 =	sshrl.u32 s1, $0x2  }
0x31: {  	s3 =	sand.u32 $0x4000, s31;
	s1 =	sadd.s32 s1, s30  }
0x32: {  	s0 =	sor.u32 s3, s0;
	s1 =	sshll.u32 s1, $0x11  }
0x33: {  	s0 =	sor.u32 s1, s0  }
0x34: {  	s0 =	sadd.s32 $0x8F2B, s0  }
0x35: {  	[sflag:s0] =	ssyncadd.remote.s32 $0x1  }
0x36: {  	_ =	sfence.sel $0xFFFF  }
0x37: {  	[dreg:$0x0] =	wrdreg $0xFFFFFFFF;
	(pc) =	sbr.abs _section_cstart, $3  }
0x38: {  	[dreg:$0x1] =	wrdreg $0xFFFFFFFF  }
0x39: {  	_ =	task.clear_ibuf [dreg:s7], $0x2FFFF;
	_ =	strace $0x9FFFFFFF  }
0x3a: {  	(tm) =	ssettm $0x7FFFFFFF  }
0x3b: {  	_ =	shalt  }
tec
execute0_lowered:
.L_overlay_start_1:
0x0: {  	(tag) =	ssettag $0x1  }
0x1: {  	s0 =	srdreg.scid  }
0x2: {  	s1 =	sshll.u32 s0, $0x4  }
0x3: {  	s5 =	rddreg [dreg:$0x0];
	s0 =	stileid.u32;
	s1 =	sand.u32 $0x10, s1  }
0x4: {  	s3 =	rddreg [dreg:$0x1];
	s31 =	simm.s32 $0x2;
	s4 =	sor.u32 s0, s1  }
0x5: {  	s13 =	simm.s32 $0x0;
	s9 =	simm.s32 $0x400;
	s2 =	sshll.u32 s4, $0x7  }
0x6: {  	s10 =	simm.s32 $0x8000;
	s14 =	simm.s32 $0x0;
	s6 =	ssub.s32 $0x1000, s2  }
0x7: {  	s1 =	rddreg [dreg:$0x2];
	_ =	strace $0x8000004A;
	s7 =	sand.u32 $0xF80, s6  }
0x8: {  	s4 =	sshll.u32 s4, $0xB;
	p0 =	sne.s32 s7, $0x0;
	s7 =	simm.s32 $0x1  }
.Ltmp0:
0x9: {  	s6 =	sshrl.u32 s6, $0xC;
	s7 =	simm.s32 @!p0 $0x0;
	(pc) =	sbr.rel .LBB1_1-.Ltmp0, $4  }
0xa: {  	s8 =	sadd.s32 s4, s5;
	s4 =	simm.s32 $0x1;
	s30 =	sadd.s32 s7, s6  }
0xb: {  	s11 =	simm.s32 $0x0;
	[sflag:s4] =	ssyncpa.u1 $0x0;
	s5 =	smul.u32 $0x19, s30  }
0xc: {  	s12 =	simm.s32 $0x0;
	[sflag:s31] =	ssyncpa.u1 $0x0;
	p0 =	por $0x0, $0x0  }
0xd: {  	s6 =	sadd.s32 $0xA00, s8;
	s7 =	sadd.s32 $0x10A00, s8;
	s8 =	sadd.s32 $0x1, s5  }
.LBB1_7:
0xe: {  	s15 =	sadd.s32 $0x2, s11  }
0xf: {  	p2 =	sgt.s32 s15, $0x31  }
0x10: {  	s15 =	simm.s32 @p2 $0x0;
	p2 =	sne.s32 s12, s8  }
.Ltmp1:
0x11: {  	p1 =	slt.u32 s12, $0x2;
	(pc) =	sbr.rel @!p2 .LBB1_8-.Ltmp1, $4  }
0x12: {  	s13 =	simm.s32 @!p1 $0x2  }
0x13: {  	s16 =	sadd.s32 $0x1, s12;
	s14 =	smov.u32 s11;
	_ =	swait.ge @!p1 [sflag:s13], $0x4000  }
0x14: {  	p0 =	por !p0, !p0;
	s12 =	smov.u32 s16;
	[sflag:s13] =	ssyncset.done @!p1 $0x0  }
0x15: {  	s11 =	smov.u32 s15;
	[sflag:s13] =	ssyncadd.s32 @!p1 $0xFFFFC000;
	s13 =	smov.u32 s2  }
.LBB1_1:
0x16: {  	p1 =	sge.u32 s12, s5  }
0x17: {  	s15 =	sxor.u32 @!p1 $0xFFFFFFFF, s12  }
0x18: {  	s16 =	sshll.u32 @!p1 s11, $0x10;
	s18 =	simm.s32 @!p1 $0x40;
	s15 =	sshll.u32 @!p1 s15, $0xE  }
0x19: {  	s19 =	simm.s32 @!p1 $0x80;
	s17 =	sadd.s32 @!p1 s16, s6;
	s15 =	sand.u32 @!p1 $0x4000, s15  }
0x1a: {  	[tilespmem:s15], [sflag:$0x1] =	stream.strided.gather @!p1 [hbm4b:s17+s18], $0x2000, s19, s18, $0x38;
	[tilespmem:$0x10100] =	vst v63  }
0x1b: {  	s31 =	sadd.s32 $0xFFFFFFFF, s12;
	s16 =	sadd.s32 @!p1 s16, s7;
	s15 =	sor.u32 @!p1 $0x2000, s15  }
0x1c: {  	[tilespmem:s15], [sflag:$0x1] =	stream.strided.gather @!p1 [hbm4b:s16+s18], $0x2000, s19, s18, $0x38;
	[tilespmem:$0x10100] =	vst v63  }
0x1d: {  	p1 =	sge.u32 s31, s5  }
.Ltmp2:
0x1e: {  	_ = 	snop;
	(pc) =	sbr.rel @p1 .LBB1_7-.Ltmp2, $1  }
0x1f: {  	_ =	sdelay $0x3  }
0x20: {  	s15 =	simm.s32 $0x1;
	s17 =	sand.u32 $0x1, s12  }
0x21: {  	_ =	swait.ge [sflag:s4], $0x4000;
	s15 =	simm.s32 @!p0 $0x0;
	s17 =	smul.u32 $0x10200, s17  }
0x22: {  	p2 =	por $0x1, $0x1;
	[sflag:s4] =	ssyncset.done $0x0;
	s16 =	smul.u32 $0x10200, s15  }
0x23: {  	s18 =	sshll.u32 s15, $0x10;
	[sflag:s4] =	ssyncadd.s32 $0xFFFFC000;
	s30 =	sshrl.u32 s17, $0x2  }
0x24: {  	s31 =	sshrl.u32 s18, $0x2;
	s18 =	simm.s32 $0x0;
	s16 =	sshrl.u32 s16, $0x2  }
0x25: {  	s15 =	sor.u32 $0x8000, s30;
	s17 =	sadd.s32 $0x20, s31;
	s16 =	sor.u32 $0x8000, s16  }
.LBB1_3:
0x26: {  	s19 =	sshll.u32 s18, $0xD  }
0x27: {  	s19 =	sand.u32 $0x3FFFE000, s19  }
0x28: {  	s21 =	sadd.s32 s19, s17  }
0x29: {  	s31 =	smul.u32 $0x8100, s18;
	v3 =	vld [tilespmem:s21+$0x10]  }
0x2a: {  	v1 =	vld [tilespmem:s21+$0xFFFFFFF0]  }
0x2b: {  	s18 =	sshra.s32 s31, $0x2;
	v0 =	vld [tilespmem:s21+$0x0]  }
0x2c: {  	s18 =	sadd.s32 s18, s16;
	v2 =	vld [tilespmem:s21+$0xFFFFFFE0]  }
0x2d: {  	s19 =	sadd.s32 $0x0, s18  }
0x2e: {  	p1 =	por p2, p2;
	s20 =	simm.s32 $0x4;
	s21 =	sadd.s32 $0x40, s21;
	[tilespmem:s19+$0x1830 ss:$0x81] =	vst.msk $0xffff, v3  }
.LBB1_4:
0x2f: {  	v3 =	vld [tilespmem:s21+$0x10];
	p2 =	sne.s32 s20, $0x1FC;
	[tilespmem:s19+$0x810 ss:$0x81] =	vst.msk $0xffff, v1;
	s22 =	smov.u32 s20;
	s20 =	sadd.s32 $0x4, s20  }
.Ltmp3:
0x30: {  	v1 =	vld [tilespmem:s21+$0xFFFFFFF0];
	[tilespmem:s19+$0x1020 ss:$0x81] =	vst.msk $0xffff, v0;
	(pc) =	sbr.rel @p2 .LBB1_4-.Ltmp3, $4  }
0x31: {  	v0 =	vld [tilespmem:s21+$0x0];
	[tilespmem:s19+$0x0 ss:$0x81] =	vst.msk $0xffff, v2  }
0x32: {  	s19 =	sshra.s32 s22, $0x2;
	v2 =	vld [tilespmem:s21+$0xFFFFFFE0]  }
0x33: {  	s19 =	sadd.s32 s19, s18  }
0x34: {  	s21 =	sadd.s32 $0x40, s21;
	[tilespmem:s19+$0x1830 ss:$0x81] =	vst.msk $0xffff, v3  }
.Ltmp4:
0x35: {  	(pc) =	sbr.rel @p1 .LBB1_3-.Ltmp4, $4  }
0x36: {  	_ = 	snop  }
0x37: {  	[tilespmem:s19+$0x810 ss:$0x81] =	vst.msk $0xffff, v1  }
0x38: {  	[tilespmem:s19+$0x1020 ss:$0x81] =	vst.msk $0xffff, v0  }
0x39: {  	s18 =	simm.s32 $0x1;
	p2 =	por $0x0, $0x0;
	[tilespmem:s19+$0x0 ss:$0x81] =	vst.msk $0xffff, v2  }
.Ltmp5:
0x3a: {  	(pc) =	sbr.rel .LBB1_7-.Ltmp5, $4  }
0x3b: {  	s14 =	sshll.u32 s14, $0xF  }
0x3c: {  	s14 =	sadd.s32 s3, s14  }
0x3d: {  	s13 =	sadd.s32 s13, s14  }
0x3e: {  	[hbm4b:s13+s9] =	stream.strided.scatter [tilespmem:s15], [sflag:$0x2], $0x4000, s10, s9, $0x20;
	[tilespmem:$0x10100] =	vst v63  }
.LBB1_8:
0x3f: {  	_ =	sfence.sel $0x180000  }
0x40: {  	s2 =	simm.s32 $0x1;
	[bflag:$0x0] =	sbarrier.arrive $0xFFFF  }
0x41: {  	s31 =	simm.s32 $0x2;
	[sflag:s2] =	ssyncpa.u1 $0x1  }
0x42: {  	[sflag:s31] =	ssyncpa.u1 $0x1  }
0x43: {  	p0 =	sne.s32 s0, $0x0;
	_ =	strace $0x9000004A  }
0x44: {  	s0 =	sadd.s32 @!p0 $0x100000, s1;
	[bflag:$0x2] =	sbarrier.arrive $0xFFFF  }
0x45: {  	[sflag:s0] =	ssyncadd.tile.s32 @!p0 $0x1;
	_ =	shalt  }
.Lfunc_end1:
_tile_overlayer_lowered:
.L_overlay_start_2:
0x46: {  	(tag) =	ssettag $0x2  }
0x47: {  	s0 =	rddreg [dreg:$0x0];
	s2 =	stileid.u32  }
0x48: {  	s1 =	rddreg [dreg:$0x1];
	p0 =	sne.s32 s2, $0x0  }
0x49: {  	s3 =	rddreg [dreg:$0x2];
	[bflag:$0x3] =	sbarrier.arrive $0xFFFF;
	s2 =	simm.s32 @!p0 $0x1C01  }
0x4a: {  	[timem:s3], [sflag:s2] =	dma.local @!p0 [hbm:s0], s1  }
0x4b: {  	s0 =	simm.s32 @!p0 $0x1  }
0x4c: {  	_ =	swait.ge @!p0 [sflag:s0], s1  }
0x4d: {  	s1 =	ssub.s32 @!p0 $0x0, s1;
	[sflag:s0] =	ssyncset.done @!p0 $0x0  }
0x4e: {  	[sflag:s0] =	ssyncadd.s32 @!p0 s1  }
0x4f: {  	[bflag:$0x3] =	sbarrier.arrive $0xFFFF  }
0x50: {  	_ =	shalt  }

</sc_bundles>
